<compile_context>
chip_gen: v7x
topology: tpu7x:2x2x1
jax: 0.10.2.dev20260603
libtpu: 0.0.44.dev20260713+nightly
codegen_flags: <defaults>
</compile_context>

<pallas_src>
import functools

import jax
import jax.numpy as jnp
import numpy as np
from jax import lax
from jax.experimental import pallas as pl
from jax.experimental.pallas import tpu as pltpu
from jax.experimental.pallas import tpu_sc as plsc

_B, _A, _N, _D, _NRBF, _ZMAX, _H = 8, 1024, 48, 128, 32, 100, 64
_BH = 4
_EH = _BH * _A * _N
_NW = 32
_EPT = _EH // _NW
_ROWS = _EPT // 128
_CPB = _NW // _BH

_TA = 128
_NT = _A // _TA
_P = _TA * _N
_ST = _BH * _NT


def _sc_body(idx_hbm, ctr_hbm, z_hbm, px_hbm, py_hbm, pz_hbm, zj_out, d2_out,
             idx_v, ctr_v, zj_v, d2_v, z_v, px_v, py_v, pz_v):
    c = lax.axis_index("c")
    s = lax.axis_index("s")
    w = s * 2 + c
    b = w // _CPB

    pltpu.sync_copy(idx_hbm.at[w], idx_v)
    pltpu.sync_copy(ctr_hbm.at[w], ctr_v)
    pltpu.sync_copy(z_hbm.at[b], z_v)
    pltpu.sync_copy(px_hbm.at[b], px_v)
    pltpu.sync_copy(py_hbm.at[b], py_v)
    pltpu.sync_copy(pz_hbm.at[b], pz_v)

    def body(row, carry):
        for k in range(8):
            col = k * 16
            iv = idx_v[row, pl.ds(col, 16)]
            zj_v[row, pl.ds(col, 16)] = plsc.load_gather(z_v, [iv])
            xg = plsc.load_gather(px_v, [iv])
            yg = plsc.load_gather(py_v, [iv])
            zg = plsc.load_gather(pz_v, [iv])
            aidx = ctr_v[row, pl.ds(col, 16)]
            cx = plsc.load_gather(px_v, [aidx])
            cy = plsc.load_gather(py_v, [aidx])
            cz = plsc.load_gather(pz_v, [aidx])
            dx = xg - cx
            dy = yg - cy
            dz = zg - cz
            d2_v[row, pl.ds(col, 16)] = dx * dx + dy * dy + dz * dz
        return carry

    lax.fori_loop(0, _ROWS, body, 0)

    pltpu.sync_copy(zj_v, zj_out.at[w])
    pltpu.sync_copy(d2_v, d2_out.at[w])


def _sc_edges(idx, ctr, z, px, py, pz):
    mesh = plsc.VectorSubcoreMesh(core_axis_name="c", subcore_axis_name="s")
    f = functools.partial(
        pl.kernel, mesh=mesh,
        compiler_params=pltpu.CompilerParams(needs_layout_passes=False),
        out_type=[
            jax.ShapeDtypeStruct((_NW, _ROWS, 128), jnp.int32),
            jax.ShapeDtypeStruct((_NW, _ROWS, 128), jnp.float32),
        ],
        scratch_types=[
            pltpu.VMEM((_ROWS, 128), jnp.int32),
            pltpu.VMEM((_ROWS, 128), jnp.int32),
            pltpu.VMEM((_ROWS, 128), jnp.int32),
            pltpu.VMEM((_ROWS, 128), jnp.float32),
            pltpu.VMEM((_A,), jnp.int32),
            pltpu.VMEM((_A,), jnp.float32),
            pltpu.VMEM((_A,), jnp.float32),
            pltpu.VMEM((_A,), jnp.float32),
        ],
    )(_sc_body)
    return f(idx, ctr, z, px, py, pz)


def _tc_body(zj_ref, d2_ref, z_ref, embT_ref, wf1T_ref, ohc_ref, wmsgT_ref,
             bmsg_ref, wo1T_ref, bo1_ref, wo2T_ref, out_ref,
             xT, embTbf, msgT_s):
    t = pl.program_id(1)

    @pl.when(t == 0)
    def _init():
        z_row = z_ref[0, 0][None, :]
        ohzc = (z_row == lax.broadcasted_iota(
            jnp.int32, (_ZMAX, _A), 0)).astype(jnp.float32)
        xT[...] = jnp.dot(embT_ref[...], ohzc,
                          preferred_element_type=jnp.float32)
        embTbf[...] = embT_ref[...].astype(jnp.bfloat16)

    zrow = zj_ref[0]
    ohz = (zrow == lax.broadcasted_iota(
        jnp.int32, (_ZMAX, _P), 0)).astype(jnp.bfloat16)
    xjT = jnp.dot(embTbf[...], ohz,
                  preferred_element_type=jnp.float32)

    d = jnp.sqrt(d2_ref[0] + 1e-8)
    centers = lax.broadcasted_iota(
        jnp.int32, (_NRBF, 1), 0).astype(jnp.float32) * (5.0 / (_NRBF - 1))
    delta = d - centers
    rbfT = jnp.exp(-10.0 * delta * delta)
    wijT = jnp.dot(wf1T_ref[...], rbfT,
                   preferred_element_type=jnp.float32)

    prodT = (xjT * wijT).astype(jnp.bfloat16)
    msgT_s[:, pl.ds(t * _TA, _TA)] = jnp.dot(
        prodT, ohc_ref[...], preferred_element_type=jnp.float32)

    @pl.when(t == _NT - 1)
    def _head():
        repT = xT[...] + jnp.tanh(
            jnp.dot(wmsgT_ref[...], msgT_s[...],
                    preferred_element_type=jnp.float32) + bmsg_ref[...])
        h1T = jnp.tanh(jnp.dot(wo1T_ref[...], repT,
                               preferred_element_type=jnp.float32)
                       + bo1_ref[...])
        atom_eT = jnp.dot(wo2T_ref[...], h1T,
                          preferred_element_type=jnp.float32)
        out_ref[...] = jnp.full((1, 1, 128), jnp.sum(atom_eT), jnp.float32)


def _tc_half(zj, d2, z3, embT, wf1T, ohc, wmsgT, bmsgC, wo1T, bo1C, wo2T):
    grid = (_BH, _NT)
    return pl.pallas_call(
        _tc_body,
        grid=grid,
        in_specs=[
            pl.BlockSpec((1, 1, _P), lambda b, t: (b * _NT + t, 0, 0)),
            pl.BlockSpec((1, 1, _P), lambda b, t: (b * _NT + t, 0, 0)),
            pl.BlockSpec((1, 1, _A), lambda b, t: (b, 0, 0)),
            pl.BlockSpec((_D, _ZMAX), lambda b, t: (0, 0)),
            pl.BlockSpec((_D, _NRBF), lambda b, t: (0, 0)),
            pl.BlockSpec((_P, _TA), lambda b, t: (0, 0)),
            pl.BlockSpec((_D, _D), lambda b, t: (0, 0)),
            pl.BlockSpec((_D, 1), lambda b, t: (0, 0)),
            pl.BlockSpec((_H, _D), lambda b, t: (0, 0)),
            pl.BlockSpec((_H, 1), lambda b, t: (0, 0)),
            pl.BlockSpec((1, _H), lambda b, t: (0, 0)),
        ],
        out_specs=pl.BlockSpec((1, 1, 128), lambda b, t: (b, 0, 0)),
        out_shape=jax.ShapeDtypeStruct((_BH, 1, 128), jnp.float32),
        scratch_shapes=[
            pltpu.VMEM((_D, _A), jnp.float32),
            pltpu.VMEM((_D, _ZMAX), jnp.bfloat16),
            pltpu.VMEM((_D, _A), jnp.float32),
        ],
    )(zj, d2, z3, embT, wf1T, ohc, wmsgT, bmsgC, wo1T, bo1C, wo2T)


def kernel(positions, atomic_numbers, neighbors, emb, W_f1, W_msg, b_msg,
           W_o1, b_o1, W_o2, b_o2):
    z = atomic_numbers.astype(jnp.int32)
    nbr = neighbors.astype(jnp.int32)
    px = positions[:, :, 0]
    py = positions[:, :, 1]
    pz = positions[:, :, 2]

    ctr = jnp.asarray(
        (np.arange(_EH, dtype=np.int32) // _N) % _A).reshape(_NW, _ROWS, 128)
    ohc = jnp.asarray(np.kron(np.eye(_TA, dtype=np.float32),
                              np.ones((1, _N), np.float32)).T
                      ).astype(jnp.bfloat16)
    embT = emb.T
    wf1T = W_f1.T
    wmsgT = W_msg.T
    bmsgC = b_msg.reshape(_D, 1)
    wo1T = W_o1.T
    bo1C = b_o1.reshape(_H, 1)
    wo2T = W_o2.T

    sc_outs = []
    for h in range(_B // _BH):
        sl = slice(h * _BH, (h + 1) * _BH)
        idx_h = nbr[sl].reshape(_NW, _ROWS, 128)
        sc_outs.append(_sc_edges(idx_h, ctr, z[sl], px[sl], py[sl], pz[sl]))
    outs = []
    for h, (zj, d2) in enumerate(sc_outs):
        sl = slice(h * _BH, (h + 1) * _BH)
        outs.append(_tc_half(
            zj.reshape(_ST, 1, _P), d2.reshape(_ST, 1, _P),
            z[sl].reshape(_BH, 1, _A), embT, wf1T, ohc, wmsgT, bmsgC,
            wo1T, bo1C, wo2T))
    out = jnp.concatenate(outs, axis=0)
    return out[:, 0, :1] + _A * b_o2[0]

# --- scband reference (transcript-rebuilt; emitter-appended) ---
"""Pipeline reference for scband-atomistic-model-20633022890823 (READ-ONLY COPY).

The authoritative reference and input builder live on the scoring server;
editing this copy changes nothing except your own understanding.
"""

import jax, jax.numpy as jnp
import numpy as np

B, A, N, D, N_RBF, ZMAX, H = 8, 1024, 48, 128, 32, 100, 64

def setup_inputs(seed: int = 0) -> dict:
    key = jax.random.key(seed)
    ks = jax.random.split(key, 12)
    positions = jax.random.normal(ks[0], (B, A, 3), dtype=jnp.float32) * 5.0
    atomic_numbers = jax.random.randint(ks[1], (B, A), 0, ZMAX)
    neighbors = jax.random.randint(ks[2], (B, A, N), 0, A)
    emb = jax.random.normal(ks[3], (ZMAX, D), dtype=jnp.float32) * 0.1
    W_f1 = jax.random.normal(ks[4], (N_RBF, D), dtype=jnp.float32) / np.sqrt(N_RBF)
    W_msg = jax.random.normal(ks[5], (D, D), dtype=jnp.float32) / np.sqrt(D)
    b_msg = jnp.zeros((D,), dtype=jnp.float32)
    W_o1 = jax.random.normal(ks[6], (D, H), dtype=jnp.float32) / np.sqrt(D)
    b_o1 = jnp.zeros((H,), dtype=jnp.float32)
    W_o2 = jax.random.normal(ks[7], (H, 1), dtype=jnp.float32) / np.sqrt(H)
    b_o2 = jnp.zeros((1,), dtype=jnp.float32)
    return {"positions": positions, "atomic_numbers": atomic_numbers, "neighbors": neighbors,
            "emb": emb, "W_f1": W_f1, "W_msg": W_msg, "b_msg": b_msg,
            "W_o1": W_o1, "b_o1": b_o1, "W_o2": W_o2, "b_o2": b_o2}

def reference(positions, atomic_numbers, neighbors, emb, W_f1, W_msg, b_msg, W_o1, b_o1, W_o2, b_o2):
    # AtomisticModel '1p' path: inputs['representation'] = representation(inputs)
    # representation: SchNet-like single interaction over a fixed neighbor list.
    b, a, n = neighbors.shape
    d = emb.shape[1]
    x = jnp.take(emb, atomic_numbers, axis=0)  # embedding lookup [B, A, D]
    idx = neighbors.reshape(b, a * n)
    # neighbor position gather -> distances (atom_distances)
    r_j = jnp.take_along_axis(positions, idx[:, :, None], axis=1).reshape(b, a, n, 3)
    d_ij = jnp.sqrt(jnp.sum((r_j - positions[:, :, None, :]) ** 2, axis=-1) + 1e-8)
    centers = jnp.linspace(0.0, 5.0, N_RBF, dtype=jnp.float32)
    rbf = jnp.exp(-10.0 * (d_ij[..., None] - centers) ** 2)  # [B, A, N, N_RBF]
    Wij = rbf @ W_f1  # continuous filter [B, A, N, D]
    # neighbor feature gather (memory-dominant)
    x_j = jnp.take_along_axis(x, idx[:, :, None], axis=1).reshape(b, a, n, d)
    msg = jnp.sum(x_j * Wij, axis=2)  # [B, A, D]
    rep = x + jnp.tanh(msg @ W_msg + b_msg)  # inputs['representation']
    # output module (Atomwise): per-atom MLP, then sum-pool over atoms
    atom_e = jnp.tanh(rep @ W_o1 + b_o1) @ W_o2 + b_o2  # [B, A, 1]
    energy = jnp.sum(atom_e, axis=1)  # [B, 1]
    return energy

if __name__ == "__main__":
    import jax
    _d = setup_inputs()
    print(jax.jit(kernel)(*tuple(_d.values())))

</pallas_src>

<mosaic_0001>
#map = affine_map<(d0, d1) -> (0, 0, 0)>
#map1 = affine_map<(d0, d1) -> (0, 0)>
module attributes {stable_mosaic.version = 14 : i64} {
  func.func @_sc_body(%arg0: i32, %arg1: i32, %arg2: memref<32x48x128xi32, #tpu.memory_space<hbm>>, %arg3: memref<32x48x128xi32, #tpu.memory_space<hbm>>, %arg4: memref<4x1024xi32, #tpu.memory_space<hbm>>, %arg5: memref<4x1024xf32, #tpu.memory_space<hbm>>, %arg6: memref<4x1024xf32, #tpu.memory_space<hbm>>, %arg7: memref<4x1024xf32, #tpu.memory_space<hbm>>, %arg8: memref<32x48x128xi32, #tpu.memory_space<hbm>>, %arg9: memref<32x48x128xf32, #tpu.memory_space<hbm>>, %arg10: memref<48x128xi32, #tpu.memory_space<vmem>>, %arg11: memref<48x128xi32, #tpu.memory_space<vmem>>, %arg12: memref<48x128xi32, #tpu.memory_space<vmem>>, %arg13: memref<48x128xf32, #tpu.memory_space<vmem>>, %arg14: memref<1024xi32, #tpu.memory_space<vmem>>, %arg15: memref<1024xf32, #tpu.memory_space<vmem>>, %arg16: memref<1024xf32, #tpu.memory_space<vmem>>, %arg17: memref<1024xf32, #tpu.memory_space<vmem>>) attributes {dimension_semantics = [#tpu.dimension_semantics<core_parallel>, #tpu.dimension_semantics<subcore_parallel>], iteration_bounds = array<i64: 2, 16>, scalar_prefetch = 0 : i64, scratch_operands = 8 : i64, tpu.core_type = #tpu.core_type<sc_vector_subcore>, window_params = [{transform_indices = #map}, {transform_indices = #map}, {transform_indices = #map1}, {transform_indices = #map1}, {transform_indices = #map1}, {transform_indices = #map1}, {transform_indices = #map}, {transform_indices = #map}]} {
    %mul3A = arith.constant 2 : i32
    %mul3A_0 = arith.muli %arg1, %mul3A : i32
    %add3A = arith.addi %mul3A_0, %arg0 : i32
    %jit3A = arith.constant 8 : i32
    %div3A = arith.divsi %add3A, %jit3A : i32
    %sign3A = arith.constant 0 : i32
    %sign3A_1 = arith.cmpi sgt, %add3A, %sign3A : i32
    %sign3A_2 = arith.extui %sign3A_1 : i1 to i32
    %sign3A_3 = arith.constant 0 : i32
    %sign3A_4 = arith.cmpi slt, %add3A, %sign3A_3 : i32
    %sign3A_5 = arith.extui %sign3A_4 : i1 to i32
    %sign3A_6 = arith.subi %sign3A_2, %sign3A_5 : i32
    %sign3A_7 = arith.constant 0 : i32
    %sign3A_8 = arith.cmpi sgt, %jit3A, %sign3A_7 : i32
    %sign3A_9 = arith.extui %sign3A_8 : i1 to i32
    %sign3A_10 = arith.constant 0 : i32
    %sign3A_11 = arith.cmpi slt, %jit3A, %sign3A_10 : i32
    %sign3A_12 = arith.extui %sign3A_11 : i1 to i32
    %sign3A_13 = arith.subi %sign3A_9, %sign3A_12 : i32
    %ne3A = arith.cmpi ne, %sign3A_6, %sign3A_13 : i32
    %rem3A = arith.remsi %add3A, %jit3A : i32
    %ne3A_14 = arith.constant 0 : i32
    %ne3A_15 = arith.cmpi ne, %rem3A, %ne3A_14 : i32
    %and3A = arith.andi %ne3A, %ne3A_15 : i1
    %sub3A = arith.constant 1 : i32
    %sub3A_16 = arith.subi %div3A, %sub3A : i32
    %select_n3A = arith.select %and3A, %sub3A_16, %div3A : i32
    "tpu.region"() ({
      %run_scoped3A = tpu.sem_alloc : memref<!tpu.dma_semaphore, #tpu.memory_space<semaphore_mem>>
      %dma_start3A = arith.constant 0 : i32
      %dma_start3A_22 = arith.constant 0 : i32
      %dma_start3A_23 = tpu.memref_slice %arg2[%add3A, %dma_start3A, %dma_start3A_22] : memref<32x48x128xi32, #tpu.memory_space<hbm>> -> memref<1x48x128xi32, #tpu.memory_space<hbm>>
      %dma_start3A_24 = tpu.memref_squeeze %dma_start3A_23 : memref<1x48x128xi32, #tpu.memory_space<hbm>> -> memref<48x128xi32, #tpu.memory_space<hbm>>
      %dma_start3A_25 = arith.constant 0 : i32
      %dma_start3A_26 = arith.constant 0 : i32
      %dma_start3A_27 = tpu.memref_slice %arg2[%add3A, %dma_start3A_25, %dma_start3A_26] : memref<32x48x128xi32, #tpu.memory_space<hbm>> -> memref<1x48x128xi32, #tpu.memory_space<hbm>>
      %dma_start3A_28 = tpu.memref_squeeze %dma_start3A_27 : memref<1x48x128xi32, #tpu.memory_space<hbm>> -> memref<48x128xi32, #tpu.memory_space<hbm>>
      tpu.enqueue_dma source(%dma_start3A_28 : memref<48x128xi32, #tpu.memory_space<hbm>>) target(%arg10 : memref<48x128xi32, #tpu.memory_space<vmem>>) target_semaphore(%run_scoped3A : memref<!tpu.dma_semaphore, #tpu.memory_space<semaphore_mem>>)
      %dma_wait3A = arith.constant 0 : i32
      %dma_wait3A_29 = arith.constant 0 : i32
      %dma_wait3A_30 = tpu.memref_slice %arg2[%add3A, %dma_wait3A, %dma_wait3A_29] : memref<32x48x128xi32, #tpu.memory_space<hbm>> -> memref<1x48x128xi32, #tpu.memory_space<hbm>>
      %dma_wait3A_31 = tpu.memref_squeeze %dma_wait3A_30 : memref<1x48x128xi32, #tpu.memory_space<hbm>> -> memref<48x128xi32, #tpu.memory_space<hbm>>
      %dma_wait3A_32 = arith.constant 0 : i32
      %dma_wait3A_33 = arith.constant 0 : i32
      %dma_wait3A_34 = tpu.memref_slice %arg2[%add3A, %dma_wait3A_32, %dma_wait3A_33] : memref<32x48x128xi32, #tpu.memory_space<hbm>> -> memref<1x48x128xi32, #tpu.memory_space<hbm>>
      %dma_wait3A_35 = tpu.memref_squeeze %dma_wait3A_34 : memref<1x48x128xi32, #tpu.memory_space<hbm>> -> memref<48x128xi32, #tpu.memory_space<hbm>>
      tpu.wait_dma2 semaphore(%run_scoped3A : memref<!tpu.dma_semaphore, #tpu.memory_space<semaphore_mem>>) src(%dma_wait3A_35 : memref<48x128xi32, #tpu.memory_space<hbm>>) dst(%arg10 : memref<48x128xi32, #tpu.memory_space<vmem>>)
      tpu.yield
    }) : () -> ()
    "tpu.region"() ({
      %run_scoped3A = tpu.sem_alloc : memref<!tpu.dma_semaphore, #tpu.memory_space<semaphore_mem>>
      %dma_start3A = arith.constant 0 : i32
      %dma_start3A_22 = arith.constant 0 : i32
      %dma_start3A_23 = tpu.memref_slice %arg3[%add3A, %dma_start3A, %dma_start3A_22] : memref<32x48x128xi32, #tpu.memory_space<hbm>> -> memref<1x48x128xi32, #tpu.memory_space<hbm>>
      %dma_start3A_24 = tpu.memref_squeeze %dma_start3A_23 : memref<1x48x128xi32, #tpu.memory_space<hbm>> -> memref<48x128xi32, #tpu.memory_space<hbm>>
      %dma_start3A_25 = arith.constant 0 : i32
      %dma_start3A_26 = arith.constant 0 : i32
      %dma_start3A_27 = tpu.memref_slice %arg3[%add3A, %dma_start3A_25, %dma_start3A_26] : memref<32x48x128xi32, #tpu.memory_space<hbm>> -> memref<1x48x128xi32, #tpu.memory_space<hbm>>
      %dma_start3A_28 = tpu.memref_squeeze %dma_start3A_27 : memref<1x48x128xi32, #tpu.memory_space<hbm>> -> memref<48x128xi32, #tpu.memory_space<hbm>>
      tpu.enqueue_dma source(%dma_start3A_28 : memref<48x128xi32, #tpu.memory_space<hbm>>) target(%arg11 : memref<48x128xi32, #tpu.memory_space<vmem>>) target_semaphore(%run_scoped3A : memref<!tpu.dma_semaphore, #tpu.memory_space<semaphore_mem>>)
      %dma_wait3A = arith.constant 0 : i32
      %dma_wait3A_29 = arith.constant 0 : i32
      %dma_wait3A_30 = tpu.memref_slice %arg3[%add3A, %dma_wait3A, %dma_wait3A_29] : memref<32x48x128xi32, #tpu.memory_space<hbm>> -> memref<1x48x128xi32, #tpu.memory_space<hbm>>
      %dma_wait3A_31 = tpu.memref_squeeze %dma_wait3A_30 : memref<1x48x128xi32, #tpu.memory_space<hbm>> -> memref<48x128xi32, #tpu.memory_space<hbm>>
      %dma_wait3A_32 = arith.constant 0 : i32
      %dma_wait3A_33 = arith.constant 0 : i32
      %dma_wait3A_34 = tpu.memref_slice %arg3[%add3A, %dma_wait3A_32, %dma_wait3A_33] : memref<32x48x128xi32, #tpu.memory_space<hbm>> -> memref<1x48x128xi32, #tpu.memory_space<hbm>>
      %dma_wait3A_35 = tpu.memref_squeeze %dma_wait3A_34 : memref<1x48x128xi32, #tpu.memory_space<hbm>> -> memref<48x128xi32, #tpu.memory_space<hbm>>
      tpu.wait_dma2 semaphore(%run_scoped3A : memref<!tpu.dma_semaphore, #tpu.memory_space<semaphore_mem>>) src(%dma_wait3A_35 : memref<48x128xi32, #tpu.memory_space<hbm>>) dst(%arg11 : memref<48x128xi32, #tpu.memory_space<vmem>>)
      tpu.yield
    }) : () -> ()
    "tpu.region"() ({
      %run_scoped3A = tpu.sem_alloc : memref<!tpu.dma_semaphore, #tpu.memory_space<semaphore_mem>>
      %dma_start3A = arith.constant 0 : i32
      %dma_start3A_22 = tpu.memref_slice %arg4[%select_n3A, %dma_start3A] : memref<4x1024xi32, #tpu.memory_space<hbm>> -> memref<1x1024xi32, #tpu.memory_space<hbm>>
      %dma_start3A_23 = tpu.memref_squeeze %dma_start3A_22 : memref<1x1024xi32, #tpu.memory_space<hbm>> -> memref<1024xi32, #tpu.memory_space<hbm>>
      %dma_start3A_24 = arith.constant 0 : i32
      %dma_start3A_25 = tpu.memref_slice %arg4[%select_n3A, %dma_start3A_24] : memref<4x1024xi32, #tpu.memory_space<hbm>> -> memref<1x1024xi32, #tpu.memory_space<hbm>>
      %dma_start3A_26 = tpu.memref_squeeze %dma_start3A_25 : memref<1x1024xi32, #tpu.memory_space<hbm>> -> memref<1024xi32, #tpu.memory_space<hbm>>
      tpu.enqueue_dma source(%dma_start3A_26 : memref<1024xi32, #tpu.memory_space<hbm>>) target(%arg14 : memref<1024xi32, #tpu.memory_space<vmem>>) target_semaphore(%run_scoped3A : memref<!tpu.dma_semaphore, #tpu.memory_space<semaphore_mem>>)
      %dma_wait3A = arith.constant 0 : i32
      %dma_wait3A_27 = tpu.memref_slice %arg4[%select_n3A, %dma_wait3A] : memref<4x1024xi32, #tpu.memory_space<hbm>> -> memref<1x1024xi32, #tpu.memory_space<hbm>>
      %dma_wait3A_28 = tpu.memref_squeeze %dma_wait3A_27 : memref<1x1024xi32, #tpu.memory_space<hbm>> -> memref<1024xi32, #tpu.memory_space<hbm>>
      %dma_wait3A_29 = arith.constant 0 : i32
      %dma_wait3A_30 = tpu.memref_slice %arg4[%select_n3A, %dma_wait3A_29] : memref<4x1024xi32, #tpu.memory_space<hbm>> -> memref<1x1024xi32, #tpu.memory_space<hbm>>
      %dma_wait3A_31 = tpu.memref_squeeze %dma_wait3A_30 : memref<1x1024xi32, #tpu.memory_space<hbm>> -> memref<1024xi32, #tpu.memory_space<hbm>>
      tpu.wait_dma2 semaphore(%run_scoped3A : memref<!tpu.dma_semaphore, #tpu.memory_space<semaphore_mem>>) src(%dma_wait3A_31 : memref<1024xi32, #tpu.memory_space<hbm>>) dst(%arg14 : memref<1024xi32, #tpu.memory_space<vmem>>)
      tpu.yield
    }) : () -> ()
    "tpu.region"() ({
      %run_scoped3A = tpu.sem_alloc : memref<!tpu.dma_semaphore, #tpu.memory_space<semaphore_mem>>
      %dma_start3A = arith.constant 0 : i32
      %dma_start3A_22 = tpu.memref_slice %arg5[%select_n3A, %dma_start3A] : memref<4x1024xf32, #tpu.memory_space<hbm>> -> memref<1x1024xf32, #tpu.memory_space<hbm>>
      %dma_start3A_23 = tpu.memref_squeeze %dma_start3A_22 : memref<1x1024xf32, #tpu.memory_space<hbm>> -> memref<1024xf32, #tpu.memory_space<hbm>>
      %dma_start3A_24 = arith.constant 0 : i32
      %dma_start3A_25 = tpu.memref_slice %arg5[%select_n3A, %dma_start3A_24] : memref<4x1024xf32, #tpu.memory_space<hbm>> -> memref<1x1024xf32, #tpu.memory_space<hbm>>
      %dma_start3A_26 = tpu.memref_squeeze %dma_start3A_25 : memref<1x1024xf32, #tpu.memory_space<hbm>> -> memref<1024xf32, #tpu.memory_space<hbm>>
      tpu.enqueue_dma source(%dma_start3A_26 : memref<1024xf32, #tpu.memory_space<hbm>>) target(%arg15 : memref<1024xf32, #tpu.memory_space<vmem>>) target_semaphore(%run_scoped3A : memref<!tpu.dma_semaphore, #tpu.memory_space<semaphore_mem>>)
      %dma_wait3A = arith.constant 0 : i32
      %dma_wait3A_27 = tpu.memref_slice %arg5[%select_n3A, %dma_wait3A] : memref<4x1024xf32, #tpu.memory_space<hbm>> -> memref<1x1024xf32, #tpu.memory_space<hbm>>
      %dma_wait3A_28 = tpu.memref_squeeze %dma_wait3A_27 : memref<1x1024xf32, #tpu.memory_space<hbm>> -> memref<1024xf32, #tpu.memory_space<hbm>>
      %dma_wait3A_29 = arith.constant 0 : i32
      %dma_wait3A_30 = tpu.memref_slice %arg5[%select_n3A, %dma_wait3A_29] : memref<4x1024xf32, #tpu.memory_space<hbm>> -> memref<1x1024xf32, #tpu.memory_space<hbm>>
      %dma_wait3A_31 = tpu.memref_squeeze %dma_wait3A_30 : memref<1x1024xf32, #tpu.memory_space<hbm>> -> memref<1024xf32, #tpu.memory_space<hbm>>
      tpu.wait_dma2 semaphore(%run_scoped3A : memref<!tpu.dma_semaphore, #tpu.memory_space<semaphore_mem>>) src(%dma_wait3A_31 : memref<1024xf32, #tpu.memory_space<hbm>>) dst(%arg15 : memref<1024xf32, #tpu.memory_space<vmem>>)
      tpu.yield
    }) : () -> ()
    "tpu.region"() ({
      %run_scoped3A = tpu.sem_alloc : memref<!tpu.dma_semaphore, #tpu.memory_space<semaphore_mem>>
      %dma_start3A = arith.constant 0 : i32
      %dma_start3A_22 = tpu.memref_slice %arg6[%select_n3A, %dma_start3A] : memref<4x1024xf32, #tpu.memory_space<hbm>> -> memref<1x1024xf32, #tpu.memory_space<hbm>>
      %dma_start3A_23 = tpu.memref_squeeze %dma_start3A_22 : memref<1x1024xf32, #tpu.memory_space<hbm>> -> memref<1024xf32, #tpu.memory_space<hbm>>
      %dma_start3A_24 = arith.constant 0 : i32
      %dma_start3A_25 = tpu.memref_slice %arg6[%select_n3A, %dma_start3A_24] : memref<4x1024xf32, #tpu.memory_space<hbm>> -> memref<1x1024xf32, #tpu.memory_space<hbm>>
      %dma_start3A_26 = tpu.memref_squeeze %dma_start3A_25 : memref<1x1024xf32, #tpu.memory_space<hbm>> -> memref<1024xf32, #tpu.memory_space<hbm>>
      tpu.enqueue_dma source(%dma_start3A_26 : memref<1024xf32, #tpu.memory_space<hbm>>) target(%arg16 : memref<1024xf32, #tpu.memory_space<vmem>>) target_semaphore(%run_scoped3A : memref<!tpu.dma_semaphore, #tpu.memory_space<semaphore_mem>>)
      %dma_wait3A = arith.constant 0 : i32
      %dma_wait3A_27 = tpu.memref_slice %arg6[%select_n3A, %dma_wait3A] : memref<4x1024xf32, #tpu.memory_space<hbm>> -> memref<1x1024xf32, #tpu.memory_space<hbm>>
      %dma_wait3A_28 = tpu.memref_squeeze %dma_wait3A_27 : memref<1x1024xf32, #tpu.memory_space<hbm>> -> memref<1024xf32, #tpu.memory_space<hbm>>
      %dma_wait3A_29 = arith.constant 0 : i32
      %dma_wait3A_30 = tpu.memref_slice %arg6[%select_n3A, %dma_wait3A_29] : memref<4x1024xf32, #tpu.memory_space<hbm>> -> memref<1x1024xf32, #tpu.memory_space<hbm>>
      %dma_wait3A_31 = tpu.memref_squeeze %dma_wait3A_30 : memref<1x1024xf32, #tpu.memory_space<hbm>> -> memref<1024xf32, #tpu.memory_space<hbm>>
      tpu.wait_dma2 semaphore(%run_scoped3A : memref<!tpu.dma_semaphore, #tpu.memory_space<semaphore_mem>>) src(%dma_wait3A_31 : memref<1024xf32, #tpu.memory_space<hbm>>) dst(%arg16 : memref<1024xf32, #tpu.memory_space<vmem>>)
      tpu.yield
    }) : () -> ()
    "tpu.region"() ({
      %run_scoped3A = tpu.sem_alloc : memref<!tpu.dma_semaphore, #tpu.memory_space<semaphore_mem>>
      %dma_start3A = arith.constant 0 : i32
      %dma_start3A_22 = tpu.memref_slice %arg7[%select_n3A, %dma_start3A] : memref<4x1024xf32, #tpu.memory_space<hbm>> -> memref<1x1024xf32, #tpu.memory_space<hbm>>
      %dma_start3A_23 = tpu.memref_squeeze %dma_start3A_22 : memref<1x1024xf32, #tpu.memory_space<hbm>> -> memref<1024xf32, #tpu.memory_space<hbm>>
      %dma_start3A_24 = arith.constant 0 : i32
      %dma_start3A_25 = tpu.memref_slice %arg7[%select_n3A, %dma_start3A_24] : memref<4x1024xf32, #tpu.memory_space<hbm>> -> memref<1x1024xf32, #tpu.memory_space<hbm>>
      %dma_start3A_26 = tpu.memref_squeeze %dma_start3A_25 : memref<1x1024xf32, #tpu.memory_space<hbm>> -> memref<1024xf32, #tpu.memory_space<hbm>>
      tpu.enqueue_dma source(%dma_start3A_26 : memref<1024xf32, #tpu.memory_space<hbm>>) target(%arg17 : memref<1024xf32, #tpu.memory_space<vmem>>) target_semaphore(%run_scoped3A : memref<!tpu.dma_semaphore, #tpu.memory_space<semaphore_mem>>)
      %dma_wait3A = arith.constant 0 : i32
      %dma_wait3A_27 = tpu.memref_slice %arg7[%select_n3A, %dma_wait3A] : memref<4x1024xf32, #tpu.memory_space<hbm>> -> memref<1x1024xf32, #tpu.memory_space<hbm>>
      %dma_wait3A_28 = tpu.memref_squeeze %dma_wait3A_27 : memref<1x1024xf32, #tpu.memory_space<hbm>> -> memref<1024xf32, #tpu.memory_space<hbm>>
      %dma_wait3A_29 = arith.constant 0 : i32
      %dma_wait3A_30 = tpu.memref_slice %arg7[%select_n3A, %dma_wait3A_29] : memref<4x1024xf32, #tpu.memory_space<hbm>> -> memref<1x1024xf32, #tpu.memory_space<hbm>>
      %dma_wait3A_31 = tpu.memref_squeeze %dma_wait3A_30 : memref<1x1024xf32, #tpu.memory_space<hbm>> -> memref<1024xf32, #tpu.memory_space<hbm>>
      tpu.wait_dma2 semaphore(%run_scoped3A : memref<!tpu.dma_semaphore, #tpu.memory_space<semaphore_mem>>) src(%dma_wait3A_31 : memref<1024xf32, #tpu.memory_space<hbm>>) dst(%arg17 : memref<1024xf32, #tpu.memory_space<vmem>>)
      tpu.yield
    }) : () -> ()
    %scan3A = arith.constant 0 : i32
    %scan3A_17 = arith.constant 0 : i32
    %scan3A_18 = arith.constant 48 : i32
    %scan3A_19 = arith.addi %scan3A_17, %scan3A_18 : i32
    %scan3A_20 = arith.constant 1 : i32
    scf.for %scan3A_22 = %scan3A_17 to %scan3A_19 step %scan3A_20  : i32 {
      %get3A = arith.index_cast %scan3A_22 : i32 to index
      %get3A_23 = arith.constant 0 : index
      %get3A_24 = tpu.vector_load %arg10[%get3A, %get3A_23] {strides = array<i32>} : memref<48x128xi32, #tpu.memory_space<vmem>>, vector<16xi32>,
      %gather3A = tpu.vector_load_idx %arg14[%get3A_24] : memref<1024xi32, #tpu.memory_space<vmem>>[vector<16xi32>], vector<16xi32>,
      %swap3A = arith.index_cast %scan3A_22 : i32 to index
      %swap3A_25 = arith.constant 0 : index
      %swap3A_26 = tpu.vector_load %arg12[%swap3A, %swap3A_25] {strides = array<i32>} : memref<48x128xi32, #tpu.memory_space<vmem>>, vector<16xi32>,
      tpu.vector_store %arg12[%swap3A, %swap3A_25], %gather3A {strides = array<i32>} : memref<48x128xi32, #tpu.memory_space<vmem>>, vector<16xi32>,
      %gather3A_27 = tpu.vector_load_idx %arg15[%get3A_24] : memref<1024xf32, #tpu.memory_space<vmem>>[vector<16xi32>], vector<16xf32>,
      %gather3A_28 = tpu.vector_load_idx %arg16[%get3A_24] : memref<1024xf32, #tpu.memory_space<vmem>>[vector<16xi32>], vector<16xf32>,
      %gather3A_29 = tpu.vector_load_idx %arg17[%get3A_24] : memref<1024xf32, #tpu.memory_space<vmem>>[vector<16xi32>], vector<16xf32>,
      %get3A_30 = arith.index_cast %scan3A_22 : i32 to index
      %get3A_31 = arith.constant 0 : index
      %get3A_32 = tpu.vector_load %arg11[%get3A_30, %get3A_31] {strides = array<i32>} : memref<48x128xi32, #tpu.memory_space<vmem>>, vector<16xi32>,
      %gather3A_33 = tpu.vector_load_idx %arg15[%get3A_32] : memref<1024xf32, #tpu.memory_space<vmem>>[vector<16xi32>], vector<16xf32>,
      %gather3A_34 = tpu.vector_load_idx %arg16[%get3A_32] : memref<1024xf32, #tpu.memory_space<vmem>>[vector<16xi32>], vector<16xf32>,
      %gather3A_35 = tpu.vector_load_idx %arg17[%get3A_32] : memref<1024xf32, #tpu.memory_space<vmem>>[vector<16xi32>], vector<16xf32>,
      %sub3A_36 = arith.subf %gather3A_27, %gather3A_33 : vector<16xf32>
      %sub3A_37 = arith.subf %gather3A_28, %gather3A_34 : vector<16xf32>
      %sub3A_38 = arith.subf %gather3A_29, %gather3A_35 : vector<16xf32>
      %mul3A_39 = arith.mulf %sub3A_36, %sub3A_36 : vector<16xf32>
      %mul3A_40 = arith.mulf %sub3A_37, %sub3A_37 : vector<16xf32>
      %add3A_41 = arith.addf %mul3A_39, %mul3A_40 : vector<16xf32>
      %mul3A_42 = arith.mulf %sub3A_38, %sub3A_38 : vector<16xf32>
      %add3A_43 = arith.addf %add3A_41, %mul3A_42 : vector<16xf32>
      %swap3A_44 = arith.index_cast %scan3A_22 : i32 to index
      %swap3A_45 = arith.constant 0 : index
      %swap3A_46 = tpu.vector_load %arg13[%swap3A_44, %swap3A_45] {strides = array<i32>} : memref<48x128xf32, #tpu.memory_space<vmem>>, vector<16xf32>,
      tpu.vector_store %arg13[%swap3A_44, %swap3A_45], %add3A_43 {strides = array<i32>} : memref<48x128xf32, #tpu.memory_space<vmem>>, vector<16xf32>,
      %get3A_47 = arith.index_cast %scan3A_22 : i32 to index
      %get3A_48 = arith.constant 16 : index
      %get3A_49 = tpu.vector_load %arg10[%get3A_47, %get3A_48] {strides = array<i32>} : memref<48x128xi32, #tpu.memory_space<vmem>>, vector<16xi32>,
      %gather3A_50 = tpu.vector_load_idx %arg14[%get3A_49] : memref<1024xi32, #tpu.memory_space<vmem>>[vector<16xi32>], vector<16xi32>,
      %swap3A_51 = arith.index_cast %scan3A_22 : i32 to index
      %swap3A_52 = arith.constant 16 : index
      %swap3A_53 = tpu.vector_load %arg12[%swap3A_51, %swap3A_52] {strides = array<i32>} : memref<48x128xi32, #tpu.memory_space<vmem>>, vector<16xi32>,
      tpu.vector_store %arg12[%swap3A_51, %swap3A_52], %gather3A_50 {strides = array<i32>} : memref<48x128xi32, #tpu.memory_space<vmem>>, vector<16xi32>,
      %gather3A_54 = tpu.vector_load_idx %arg15[%get3A_49] : memref<1024xf32, #tpu.memory_space<vmem>>[vector<16xi32>], vector<16xf32>,
      %gather3A_55 = tpu.vector_load_idx %arg16[%get3A_49] : memref<1024xf32, #tpu.memory_space<vmem>>[vector<16xi32>], vector<16xf32>,
      %gather3A_56 = tpu.vector_load_idx %arg17[%get3A_49] : memref<1024xf32, #tpu.memory_space<vmem>>[vector<16xi32>], vector<16xf32>,
      %get3A_57 = arith.index_cast %scan3A_22 : i32 to index
      %get3A_58 = arith.constant 16 : index
      %get3A_59 = tpu.vector_load %arg11[%get3A_57, %get3A_58] {strides = array<i32>} : memref<48x128xi32, #tpu.memory_space<vmem>>, vector<16xi32>,
      %gather3A_60 = tpu.vector_load_idx %arg15[%get3A_59] : memref<1024xf32, #tpu.memory_space<vmem>>[vector<16xi32>], vector<16xf32>,
      %gather3A_61 = tpu.vector_load_idx %arg16[%get3A_59] : memref<1024xf32, #tpu.memory_space<vmem>>[vector<16xi32>], vector<16xf32>,
      %gather3A_62 = tpu.vector_load_idx %arg17[%get3A_59] : memref<1024xf32, #tpu.memory_space<vmem>>[vector<16xi32>], vector<16xf32>,
      %sub3A_63 = arith.subf %gather3A_54, %gather3A_60 : vector<16xf32>
      %sub3A_64 = arith.subf %gather3A_55, %gather3A_61 : vector<16xf32>
      %sub3A_65 = arith.subf %gather3A_56, %gather3A_62 : vector<16xf32>
      %mul3A_66 = arith.mulf %sub3A_63, %sub3A_63 : vector<16xf32>
      %mul3A_67 = arith.mulf %sub3A_64, %sub3A_64 : vector<16xf32>
      %add3A_68 = arith.addf %mul3A_66, %mul3A_67 : vector<16xf32>
      %mul3A_69 = arith.mulf %sub3A_65, %sub3A_65 : vector<16xf32>
      %add3A_70 = arith.addf %add3A_68, %mul3A_69 : vector<16xf32>
      %swap3A_71 = arith.index_cast %scan3A_22 : i32 to index
      %swap3A_72 = arith.constant 16 : index
      %swap3A_73 = tpu.vector_load %arg13[%swap3A_71, %swap3A_72] {strides = array<i32>} : memref<48x128xf32, #tpu.memory_space<vmem>>, vector<16xf32>,
      tpu.vector_store %arg13[%swap3A_71, %swap3A_72], %add3A_70 {strides = array<i32>} : memref<48x128xf32, #tpu.memory_space<vmem>>, vector<16xf32>,
      %get3A_74 = arith.index_cast %scan3A_22 : i32 to index
      %get3A_75 = arith.constant 32 : index
      %get3A_76 = tpu.vector_load %arg10[%get3A_74, %get3A_75] {strides = array<i32>} : memref<48x128xi32, #tpu.memory_space<vmem>>, vector<16xi32>,
      %gather3A_77 = tpu.vector_load_idx %arg14[%get3A_76] : memref<1024xi32, #tpu.memory_space<vmem>>[vector<16xi32>], vector<16xi32>,
      %swap3A_78 = arith.index_cast %scan3A_22 : i32 to index
      %swap3A_79 = arith.constant 32 : index
      %swap3A_80 = tpu.vector_load %arg12[%swap3A_78, %swap3A_79] {strides = array<i32>} : memref<48x128xi32, #tpu.memory_space<vmem>>, vector<16xi32>,
      tpu.vector_store %arg12[%swap3A_78, %swap3A_79], %gather3A_77 {strides = array<i32>} : memref<48x128xi32, #tpu.memory_space<vmem>>, vector<16xi32>,
      %gather3A_81 = tpu.vector_load_idx %arg15[%get3A_76] : memref<1024xf32, #tpu.memory_space<vmem>>[vector<16xi32>], vector<16xf32>,
      %gather3A_82 = tpu.vector_load_idx %arg16[%get3A_76] : memref<1024xf32, #tpu.memory_space<vmem>>[vector<16xi32>], vector<16xf32>,
      %gather3A_83 = tpu.vector_load_idx %arg17[%get3A_76] : memref<1024xf32, #tpu.memory_space<vmem>>[vector<16xi32>], vector<16xf32>,
      %get3A_84 = arith.index_cast %scan3A_22 : i32 to index
      %get3A_85 = arith.constant 32 : index
      %get3A_86 = tpu.vector_load %arg11[%get3A_84, %get3A_85] {strides = array<i32>} : memref<48x128xi32, #tpu.memory_space<vmem>>, vector<16xi32>,
      %gather3A_87 = tpu.vector_load_idx %arg15[%get3A_86] : memref<1024xf32, #tpu.memory_space<vmem>>[vector<16xi32>], vector<16xf32>,
      %gather3A_88 = tpu.vector_load_idx %arg16[%get3A_86] : memref<1024xf32, #tpu.memory_space<vmem>>[vector<16xi32>], vector<16xf32>,
      %gather3A_89 = tpu.vector_load_idx %arg17[%get3A_86] : memref<1024xf32, #tpu.memory_space<vmem>>[vector<16xi32>], vector<16xf32>,
      %sub3A_90 = arith.subf %gather3A_81, %gather3A_87 : vector<16xf32>
      %sub3A_91 = arith.subf %gather3A_82, %gather3A_88 : vector<16xf32>
      %sub3A_92 = arith.subf %gather3A_83, %gather3A_89 : vector<16xf32>
      %mul3A_93 = arith.mulf %sub3A_90, %sub3A_90 : vector<16xf32>
      %mul3A_94 = arith.mulf %sub3A_91, %sub3A_91 : vector<16xf32>
      %add3A_95 = arith.addf %mul3A_93, %mul3A_94 : vector<16xf32>
      %mul3A_96 = arith.mulf %sub3A_92, %sub3A_92 : vector<16xf32>
      %add3A_97 = arith.addf %add3A_95, %mul3A_96 : vector<16xf32>
      %swap3A_98 = arith.index_cast %scan3A_22 : i32 to index
      %swap3A_99 = arith.constant 32 : index
      %swap3A_100 = tpu.vector_load %arg13[%swap3A_98, %swap3A_99] {strides = array<i32>} : memref<48x128xf32, #tpu.memory_space<vmem>>, vector<16xf32>,
      tpu.vector_store %arg13[%swap3A_98, %swap3A_99], %add3A_97 {strides = array<i32>} : memref<48x128xf32, #tpu.memory_space<vmem>>, vector<16xf32>,
      %get3A_101 = arith.index_cast %scan3A_22 : i32 to index
      %get3A_102 = arith.constant 48 : index
      %get3A_103 = tpu.vector_load %arg10[%get3A_101, %get3A_102] {strides = array<i32>} : memref<48x128xi32, #tpu.memory_space<vmem>>, vector<16xi32>,
      %gather3A_104 = tpu.vector_load_idx %arg14[%get3A_103] : memref<1024xi32, #tpu.memory_space<vmem>>[vector<16xi32>], vector<16xi32>,
      %swap3A_105 = arith.index_cast %scan3A_22 : i32 to index
      %swap3A_106 = arith.constant 48 : index
      %swap3A_107 = tpu.vector_load %arg12[%swap3A_105, %swap3A_106] {strides = array<i32>} : memref<48x128xi32, #tpu.memory_space<vmem>>, vector<16xi32>,
      tpu.vector_store %arg12[%swap3A_105, %swap3A_106], %gather3A_104 {strides = array<i32>} : memref<48x128xi32, #tpu.memory_space<vmem>>, vector<16xi32>,
      %gather3A_108 = tpu.vector_load_idx %arg15[%get3A_103] : memref<1024xf32, #tpu.memory_space<vmem>>[vector<16xi32>], vector<16xf32>,
      %gather3A_109 = tpu.vector_load_idx %arg16[%get3A_103] : memref<1024xf32, #tpu.memory_space<vmem>>[vector<16xi32>], vector<16xf32>,
      %gather3A_110 = tpu.vector_load_idx %arg17[%get3A_103] : memref<1024xf32, #tpu.memory_space<vmem>>[vector<16xi32>], vector<16xf32>,
      %get3A_111 = arith.index_cast %scan3A_22 : i32 to index
      %get3A_112 = arith.constant 48 : index
      %get3A_113 = tpu.vector_load %arg11[%get3A_111, %get3A_112] {strides = array<i32>} : memref<48x128xi32, #tpu.memory_space<vmem>>, vector<16xi32>,
      %gather3A_114 = tpu.vector_load_idx %arg15[%get3A_113] : memref<1024xf32, #tpu.memory_space<vmem>>[vector<16xi32>], vector<16xf32>,
      %gather3A_115 = tpu.vector_load_idx %arg16[%get3A_113] : memref<1024xf32, #tpu.memory_space<vmem>>[vector<16xi32>], vector<16xf32>,
      %gather3A_116 = tpu.vector_load_idx %arg17[%get3A_113] : memref<1024xf32, #tpu.memory_space<vmem>>[vector<16xi32>], vector<16xf32>,
      %sub3A_117 = arith.subf %gather3A_108, %gather3A_114 : vector<16xf32>
      %sub3A_118 = arith.subf %gather3A_109, %gather3A_115 : vector<16xf32>
      %sub3A_119 = arith.subf %gather3A_110, %gather3A_116 : vector<16xf32>
      %mul3A_120 = arith.mulf %sub3A_117, %sub3A_117 : vector<16xf32>
      %mul3A_121 = arith.mulf %sub3A_118, %sub3A_118 : vector<16xf32>
      %add3A_122 = arith.addf %mul3A_120, %mul3A_121 : vector<16xf32>
      %mul3A_123 = arith.mulf %sub3A_119, %sub3A_119 : vector<16xf32>
      %add3A_124 = arith.addf %add3A_122, %mul3A_123 : vector<16xf32>
      %swap3A_125 = arith.index_cast %scan3A_22 : i32 to index
      %swap3A_126 = arith.constant 48 : index
      %swap3A_127 = tpu.vector_load %arg13[%swap3A_125, %swap3A_126] {strides = array<i32>} : memref<48x128xf32, #tpu.memory_space<vmem>>, vector<16xf32>,
      tpu.vector_store %arg13[%swap3A_125, %swap3A_126], %add3A_124 {strides = array<i32>} : memref<48x128xf32, #tpu.memory_space<vmem>>, vector<16xf32>,
      %get3A_128 = arith.index_cast %scan3A_22 : i32 to index
      %get3A_129 = arith.constant 64 : index
      %get3A_130 = tpu.vector_load %arg10[%get3A_128, %get3A_129] {strides = array<i32>} : memref<48x128xi32, #tpu.memory_space<vmem>>, vector<16xi32>,
      %gather3A_131 = tpu.vector_load_idx %arg14[%get3A_130] : memref<1024xi32, #tpu.memory_space<vmem>>[vector<16xi32>], vector<16xi32>,
      %swap3A_132 = arith.index_cast %scan3A_22 : i32 to index
      %swap3A_133 = arith.constant 64 : index
      %swap3A_134 = tpu.vector_load %arg12[%swap3A_132, %swap3A_133] {strides = array<i32>} : memref<48x128xi32, #tpu.memory_space<vmem>>, vector<16xi32>,
      tpu.vector_store %arg12[%swap3A_132, %swap3A_133], %gather3A_131 {strides = array<i32>} : memref<48x128xi32, #tpu.memory_space<vmem>>, vector<16xi32>,
      %gather3A_135 = tpu.vector_load_idx %arg15[%get3A_130] : memref<1024xf32, #tpu.memory_space<vmem>>[vector<16xi32>], vector<16xf32>,
      %gather3A_136 = tpu.vector_load_idx %arg16[%get3A_130] : memref<1024xf32, #tpu.memory_space<vmem>>[vector<16xi32>], vector<16xf32>,
      %gather3A_137 = tpu.vector_load_idx %arg17[%get3A_130] : memref<1024xf32, #tpu.memory_space<vmem>>[vector<16xi32>], vector<16xf32>,
      %get3A_138 = arith.index_cast %scan3A_22 : i32 to index
      %get3A_139 = arith.constant 64 : index
      %get3A_140 = tpu.vector_load %arg11[%get3A_138, %get3A_139] {strides = array<i32>} : memref<48x128xi32, #tpu.memory_space<vmem>>, vector<16xi32>,
      %gather3A_141 = tpu.vector_load_idx %arg15[%get3A_140] : memref<1024xf32, #tpu.memory_space<vmem>>[vector<16xi32>], vector<16xf32>,
      %gather3A_142 = tpu.vector_load_idx %arg16[%get3A_140] : memref<1024xf32, #tpu.memory_space<vmem>>[vector<16xi32>], vector<16xf32>,
      %gather3A_143 = tpu.vector_load_idx %arg17[%get3A_140] : memref<1024xf32, #tpu.memory_space<vmem>>[vector<16xi32>], vector<16xf32>,
      %sub3A_144 = arith.subf %gather3A_135, %gather3A_141 : vector<16xf32>
      %sub3A_145 = arith.subf %gather3A_136, %gather3A_142 : vector<16xf32>
      %sub3A_146 = arith.subf %gather3A_137, %gather3A_143 : vector<16xf32>
      %mul3A_147 = arith.mulf %sub3A_144, %sub3A_144 : vector<16xf32>
      %mul3A_148 = arith.mulf %sub3A_145, %sub3A_145 : vector<16xf32>
      %add3A_149 = arith.addf %mul3A_147, %mul3A_148 : vector<16xf32>
      %mul3A_150 = arith.mulf %sub3A_146, %sub3A_146 : vector<16xf32>
      %add3A_151 = arith.addf %add3A_149, %mul3A_150 : vector<16xf32>
      %swap3A_152 = arith.index_cast %scan3A_22 : i32 to index
      %swap3A_153 = arith.constant 64 : index
      %swap3A_154 = tpu.vector_load %arg13[%swap3A_152, %swap3A_153] {strides = array<i32>} : memref<48x128xf32, #tpu.memory_space<vmem>>, vector<16xf32>,
      tpu.vector_store %arg13[%swap3A_152, %swap3A_153], %add3A_151 {strides = array<i32>} : memref<48x128xf32, #tpu.memory_space<vmem>>, vector<16xf32>,
      %get3A_155 = arith.index_cast %scan3A_22 : i32 to index
      %get3A_156 = arith.constant 80 : index
      %get3A_157 = tpu.vector_load %arg10[%get3A_155, %get3A_156] {strides = array<i32>} : memref<48x128xi32, #tpu.memory_space<vmem>>, vector<16xi32>,
      %gather3A_158 = tpu.vector_load_idx %arg14[%get3A_157] : memref<1024xi32, #tpu.memory_space<vmem>>[vector<16xi32>], vector<16xi32>,
      %swap3A_159 = arith.index_cast %scan3A_22 : i32 to index
      %swap3A_160 = arith.constant 80 : index
      %swap3A_161 = tpu.vector_load %arg12[%swap3A_159, %swap3A_160] {strides = array<i32>} : memref<48x128xi32, #tpu.memory_space<vmem>>, vector<16xi32>,
      tpu.vector_store %arg12[%swap3A_159, %swap3A_160], %gather3A_158 {strides = array<i32>} : memref<48x128xi32, #tpu.memory_space<vmem>>, vector<16xi32>,
      %gather3A_162 = tpu.vector_load_idx %arg15[%get3A_157] : memref<1024xf32, #tpu.memory_space<vmem>>[vector<16xi32>], vector<16xf32>,
      %gather3A_163 = tpu.vector_load_idx %arg16[%get3A_157] : memref<1024xf32, #tpu.memory_space<vmem>>[vector<16xi32>], vector<16xf32>,
      %gather3A_164 = tpu.vector_load_idx %arg17[%get3A_157] : memref<1024xf32, #tpu.memory_space<vmem>>[vector<16xi32>], vector<16xf32>,
      %get3A_165 = arith.index_cast %scan3A_22 : i32 to index
      %get3A_166 = arith.constant 80 : index
      %get3A_167 = tpu.vector_load %arg11[%get3A_165, %get3A_166] {strides = array<i32>} : memref<48x128xi32, #tpu.memory_space<vmem>>, vector<16xi32>,
      %gather3A_168 = tpu.vector_load_idx %arg15[%get3A_167] : memref<1024xf32, #tpu.memory_space<vmem>>[vector<16xi32>], vector<16xf32>,
      %gather3A_169 = tpu.vector_load_idx %arg16[%get3A_167] : memref<1024xf32, #tpu.memory_space<vmem>>[vector<16xi32>], vector<16xf32>,
      %gather3A_170 = tpu.vector_load_idx %arg17[%get3A_167] : memref<1024xf32, #tpu.memory_space<vmem>>[vector<16xi32>], vector<16xf32>,
      %sub3A_171 = arith.subf %gather3A_162, %gather3A_168 : vector<16xf32>
      %sub3A_172 = arith.subf %gather3A_163, %gather3A_169 : vector<16xf32>
      %sub3A_173 = arith.subf %gather3A_164, %gather3A_170 : vector<16xf32>
      %mul3A_174 = arith.mulf %sub3A_171, %sub3A_171 : vector<16xf32>
      %mul3A_175 = arith.mulf %sub3A_172, %sub3A_172 : vector<16xf32>
      %add3A_176 = arith.addf %mul3A_174, %mul3A_175 : vector<16xf32>
      %mul3A_177 = arith.mulf %sub3A_173, %sub3A_173 : vector<16xf32>
      %add3A_178 = arith.addf %add3A_176, %mul3A_177 : vector<16xf32>
      %swap3A_179 = arith.index_cast %scan3A_22 : i32 to index
      %swap3A_180 = arith.constant 80 : index
      %swap3A_181 = tpu.vector_load %arg13[%swap3A_179, %swap3A_180] {strides = array<i32>} : memref<48x128xf32, #tpu.memory_space<vmem>>, vector<16xf32>,
      tpu.vector_store %arg13[%swap3A_179, %swap3A_180], %add3A_178 {strides = array<i32>} : memref<48x128xf32, #tpu.memory_space<vmem>>, vector<16xf32>,
      %get3A_182 = arith.index_cast %scan3A_22 : i32 to index
      %get3A_183 = arith.constant 96 : index
      %get3A_184 = tpu.vector_load %arg10[%get3A_182, %get3A_183] {strides = array<i32>} : memref<48x128xi32, #tpu.memory_space<vmem>>, vector<16xi32>,
      %gather3A_185 = tpu.vector_load_idx %arg14[%get3A_184] : memref<1024xi32, #tpu.memory_space<vmem>>[vector<16xi32>], vector<16xi32>,
      %swap3A_186 = arith.index_cast %scan3A_22 : i32 to index
      %swap3A_187 = arith.constant 96 : index
      %swap3A_188 = tpu.vector_load %arg12[%swap3A_186, %swap3A_187] {strides = array<i32>} : memref<48x128xi32, #tpu.memory_space<vmem>>, vector<16xi32>,
      tpu.vector_store %arg12[%swap3A_186, %swap3A_187], %gather3A_185 {strides = array<i32>} : memref<48x128xi32, #tpu.memory_space<vmem>>, vector<16xi32>,
      %gather3A_189 = tpu.vector_load_idx %arg15[%get3A_184] : memref<1024xf32, #tpu.memory_space<vmem>>[vector<16xi32>], vector<16xf32>,
      %gather3A_190 = tpu.vector_load_idx %arg16[%get3A_184] : memref<1024xf32, #tpu.memory_space<vmem>>[vector<16xi32>], vector<16xf32>,
      %gather3A_191 = tpu.vector_load_idx %arg17[%get3A_184] : memref<1024xf32, #tpu.memory_space<vmem>>[vector<16xi32>], vector<16xf32>,
      %get3A_192 = arith.index_cast %scan3A_22 : i32 to index
      %get3A_193 = arith.constant 96 : index
      %get3A_194 = tpu.vector_load %arg11[%get3A_192, %get3A_193] {strides = array<i32>} : memref<48x128xi32, #tpu.memory_space<vmem>>, vector<16xi32>,
      %gather3A_195 = tpu.vector_load_idx %arg15[%get3A_194] : memref<1024xf32, #tpu.memory_space<vmem>>[vector<16xi32>], vector<16xf32>,
      %gather3A_196 = tpu.vector_load_idx %arg16[%get3A_194] : memref<1024xf32, #tpu.memory_space<vmem>>[vector<16xi32>], vector<16xf32>,
      %gather3A_197 = tpu.vector_load_idx %arg17[%get3A_194] : memref<1024xf32, #tpu.memory_space<vmem>>[vector<16xi32>], vector<16xf32>,
      %sub3A_198 = arith.subf %gather3A_189, %gather3A_195 : vector<16xf32>
      %sub3A_199 = arith.subf %gather3A_190, %gather3A_196 : vector<16xf32>
      %sub3A_200 = arith.subf %gather3A_191, %gather3A_197 : vector<16xf32>
      %mul3A_201 = arith.mulf %sub3A_198, %sub3A_198 : vector<16xf32>
      %mul3A_202 = arith.mulf %sub3A_199, %sub3A_199 : vector<16xf32>
      %add3A_203 = arith.addf %mul3A_201, %mul3A_202 : vector<16xf32>
      %mul3A_204 = arith.mulf %sub3A_200, %sub3A_200 : vector<16xf32>
      %add3A_205 = arith.addf %add3A_203, %mul3A_204 : vector<16xf32>
      %swap3A_206 = arith.index_cast %scan3A_22 : i32 to index
      %swap3A_207 = arith.constant 96 : index
      %swap3A_208 = tpu.vector_load %arg13[%swap3A_206, %swap3A_207] {strides = array<i32>} : memref<48x128xf32, #tpu.memory_space<vmem>>, vector<16xf32>,
      tpu.vector_store %arg13[%swap3A_206, %swap3A_207], %add3A_205 {strides = array<i32>} : memref<48x128xf32, #tpu.memory_space<vmem>>, vector<16xf32>,
      %get3A_209 = arith.index_cast %scan3A_22 : i32 to index
      %get3A_210 = arith.constant 112 : index
      %get3A_211 = tpu.vector_load %arg10[%get3A_209, %get3A_210] {strides = array<i32>} : memref<48x128xi32, #tpu.memory_space<vmem>>, vector<16xi32>,
      %gather3A_212 = tpu.vector_load_idx %arg14[%get3A_211] : memref<1024xi32, #tpu.memory_space<vmem>>[vector<16xi32>], vector<16xi32>,
      %swap3A_213 = arith.index_cast %scan3A_22 : i32 to index
      %swap3A_214 = arith.constant 112 : index
      %swap3A_215 = tpu.vector_load %arg12[%swap3A_213, %swap3A_214] {strides = array<i32>} : memref<48x128xi32, #tpu.memory_space<vmem>>, vector<16xi32>,
      tpu.vector_store %arg12[%swap3A_213, %swap3A_214], %gather3A_212 {strides = array<i32>} : memref<48x128xi32, #tpu.memory_space<vmem>>, vector<16xi32>,
      %gather3A_216 = tpu.vector_load_idx %arg15[%get3A_211] : memref<1024xf32, #tpu.memory_space<vmem>>[vector<16xi32>], vector<16xf32>,
      %gather3A_217 = tpu.vector_load_idx %arg16[%get3A_211] : memref<1024xf32, #tpu.memory_space<vmem>>[vector<16xi32>], vector<16xf32>,
      %gather3A_218 = tpu.vector_load_idx %arg17[%get3A_211] : memref<1024xf32, #tpu.memory_space<vmem>>[vector<16xi32>], vector<16xf32>,
      %get3A_219 = arith.index_cast %scan3A_22 : i32 to index
      %get3A_220 = arith.constant 112 : index
      %get3A_221 = tpu.vector_load %arg11[%get3A_219, %get3A_220] {strides = array<i32>} : memref<48x128xi32, #tpu.memory_space<vmem>>, vector<16xi32>,
      %gather3A_222 = tpu.vector_load_idx %arg15[%get3A_221] : memref<1024xf32, #tpu.memory_space<vmem>>[vector<16xi32>], vector<16xf32>,
      %gather3A_223 = tpu.vector_load_idx %arg16[%get3A_221] : memref<1024xf32, #tpu.memory_space<vmem>>[vector<16xi32>], vector<16xf32>,
      %gather3A_224 = tpu.vector_load_idx %arg17[%get3A_221] : memref<1024xf32, #tpu.memory_space<vmem>>[vector<16xi32>], vector<16xf32>,
      %sub3A_225 = arith.subf %gather3A_216, %gather3A_222 : vector<16xf32>
      %sub3A_226 = arith.subf %gather3A_217, %gather3A_223 : vector<16xf32>
      %sub3A_227 = arith.subf %gather3A_218, %gather3A_224 : vector<16xf32>
      %mul3A_228 = arith.mulf %sub3A_225, %sub3A_225 : vector<16xf32>
      %mul3A_229 = arith.mulf %sub3A_226, %sub3A_226 : vector<16xf32>
      %add3A_230 = arith.addf %mul3A_228, %mul3A_229 : vector<16xf32>
      %mul3A_231 = arith.mulf %sub3A_227, %sub3A_227 : vector<16xf32>
      %add3A_232 = arith.addf %add3A_230, %mul3A_231 : vector<16xf32>
      %swap3A_233 = arith.index_cast %scan3A_22 : i32 to index
      %swap3A_234 = arith.constant 112 : index
      %swap3A_235 = tpu.vector_load %arg13[%swap3A_233, %swap3A_234] {strides = array<i32>} : memref<48x128xf32, #tpu.memory_space<vmem>>, vector<16xf32>,
      tpu.vector_store %arg13[%swap3A_233, %swap3A_234], %add3A_232 {strides = array<i32>} : memref<48x128xf32, #tpu.memory_space<vmem>>, vector<16xf32>,
    }
    %scan3A_21 = arith.constant 48 : i32
    "tpu.region"() ({
      %run_scoped3A = tpu.sem_alloc : memref<!tpu.dma_semaphore, #tpu.memory_space<semaphore_mem>>
      %dma_start3A = arith.constant 0 : i32
      %dma_start3A_22 = arith.constant 0 : i32
      %dma_start3A_23 = tpu.memref_slice %arg8[%add3A, %dma_start3A, %dma_start3A_22] : memref<32x48x128xi32, #tpu.memory_space<hbm>> -> memref<1x48x128xi32, #tpu.memory_space<hbm>>
      %dma_start3A_24 = tpu.memref_squeeze %dma_start3A_23 : memref<1x48x128xi32, #tpu.memory_space<hbm>> -> memref<48x128xi32, #tpu.memory_space<hbm>>
      %dma_start3A_25 = arith.constant 0 : i32
      %dma_start3A_26 = arith.constant 0 : i32
      %dma_start3A_27 = tpu.memref_slice %arg8[%add3A, %dma_start3A_25, %dma_start3A_26] : memref<32x48x128xi32, #tpu.memory_space<hbm>> -> memref<1x48x128xi32, #tpu.memory_space<hbm>>
      %dma_start3A_28 = tpu.memref_squeeze %dma_start3A_27 : memref<1x48x128xi32, #tpu.memory_space<hbm>> -> memref<48x128xi32, #tpu.memory_space<hbm>>
      tpu.enqueue_dma source(%arg12 : memref<48x128xi32, #tpu.memory_space<vmem>>) target(%dma_start3A_28 : memref<48x128xi32, #tpu.memory_space<hbm>>) target_semaphore(%run_scoped3A : memref<!tpu.dma_semaphore, #tpu.memory_space<semaphore_mem>>)
      %dma_wait3A = arith.constant 0 : i32
      %dma_wait3A_29 = arith.constant 0 : i32
      %dma_wait3A_30 = tpu.memref_slice %arg8[%add3A, %dma_wait3A, %dma_wait3A_29] : memref<32x48x128xi32, #tpu.memory_space<hbm>> -> memref<1x48x128xi32, #tpu.memory_space<hbm>>
      %dma_wait3A_31 = tpu.memref_squeeze %dma_wait3A_30 : memref<1x48x128xi32, #tpu.memory_space<hbm>> -> memref<48x128xi32, #tpu.memory_space<hbm>>
      %dma_wait3A_32 = arith.constant 0 : i32
      %dma_wait3A_33 = arith.constant 0 : i32
      %dma_wait3A_34 = tpu.memref_slice %arg8[%add3A, %dma_wait3A_32, %dma_wait3A_33] : memref<32x48x128xi32, #tpu.memory_space<hbm>> -> memref<1x48x128xi32, #tpu.memory_space<hbm>>
      %dma_wait3A_35 = tpu.memref_squeeze %dma_wait3A_34 : memref<1x48x128xi32, #tpu.memory_space<hbm>> -> memref<48x128xi32, #tpu.memory_space<hbm>>
      tpu.wait_dma2 semaphore(%run_scoped3A : memref<!tpu.dma_semaphore, #tpu.memory_space<semaphore_mem>>) src(%arg12 : memref<48x128xi32, #tpu.memory_space<vmem>>) dst(%dma_wait3A_35 : memref<48x128xi32, #tpu.memory_space<hbm>>)
      tpu.yield
    }) : () -> ()
    "tpu.region"() ({
      %run_scoped3A = tpu.sem_alloc : memref<!tpu.dma_semaphore, #tpu.memory_space<semaphore_mem>>
      %dma_start3A = arith.constant 0 : i32
      %dma_start3A_22 = arith.constant 0 : i32
      %dma_start3A_23 = tpu.memref_slice %arg9[%add3A, %dma_start3A, %dma_start3A_22] : memref<32x48x128xf32, #tpu.memory_space<hbm>> -> memref<1x48x128xf32, #tpu.memory_space<hbm>>
      %dma_start3A_24 = tpu.memref_squeeze %dma_start3A_23 : memref<1x48x128xf32, #tpu.memory_space<hbm>> -> memref<48x128xf32, #tpu.memory_space<hbm>>
      %dma_start3A_25 = arith.constant 0 : i32
      %dma_start3A_26 = arith.constant 0 : i32
      %dma_start3A_27 = tpu.memref_slice %arg9[%add3A, %dma_start3A_25, %dma_start3A_26] : memref<32x48x128xf32, #tpu.memory_space<hbm>> -> memref<1x48x128xf32, #tpu.memory_space<hbm>>
      %dma_start3A_28 = tpu.memref_squeeze %dma_start3A_27 : memref<1x48x128xf32, #tpu.memory_space<hbm>> -> memref<48x128xf32, #tpu.memory_space<hbm>>
      tpu.enqueue_dma source(%arg13 : memref<48x128xf32, #tpu.memory_space<vmem>>) target(%dma_start3A_28 : memref<48x128xf32, #tpu.memory_space<hbm>>) target_semaphore(%run_scoped3A : memref<!tpu.dma_semaphore, #tpu.memory_space<semaphore_mem>>)
      %dma_wait3A = arith.constant 0 : i32
      %dma_wait3A_29 = arith.constant 0 : i32
      %dma_wait3A_30 = tpu.memref_slice %arg9[%add3A, %dma_wait3A, %dma_wait3A_29] : memref<32x48x128xf32, #tpu.memory_space<hbm>> -> memref<1x48x128xf32, #tpu.memory_space<hbm>>
      %dma_wait3A_31 = tpu.memref_squeeze %dma_wait3A_30 : memref<1x48x128xf32, #tpu.memory_space<hbm>> -> memref<48x128xf32, #tpu.memory_space<hbm>>
      %dma_wait3A_32 = arith.constant 0 : i32
      %dma_wait3A_33 = arith.constant 0 : i32
      %dma_wait3A_34 = tpu.memref_slice %arg9[%add3A, %dma_wait3A_32, %dma_wait3A_33] : memref<32x48x128xf32, #tpu.memory_space<hbm>> -> memref<1x48x128xf32, #tpu.memory_space<hbm>>
      %dma_wait3A_35 = tpu.memref_squeeze %dma_wait3A_34 : memref<1x48x128xf32, #tpu.memory_space<hbm>> -> memref<48x128xf32, #tpu.memory_space<hbm>>
      tpu.wait_dma2 semaphore(%run_scoped3A : memref<!tpu.dma_semaphore, #tpu.memory_space<semaphore_mem>>) src(%arg13 : memref<48x128xf32, #tpu.memory_space<vmem>>) dst(%dma_wait3A_35 : memref<48x128xf32, #tpu.memory_space<hbm>>)
      tpu.yield
    }) : () -> ()
    return
  }
}

#map = affine_map<(d0, d1) -> (0, 0, 0)>
#map1 = affine_map<(d0, d1) -> (0, 0)>
module attributes {stable_mosaic.version = 14 : i64} {
  func.func @_sc_body(%arg0: i32, %arg1: i32, %arg2: memref<32x48x128xi32, #tpu.memory_space<hbm>>, %arg3: memref<32x48x128xi32, #tpu.memory_space<hbm>>, %arg4: memref<4x1024xi32, #tpu.memory_space<hbm>>, %arg5: memref<4x1024xf32, #tpu.memory_space<hbm>>, %arg6: memref<4x1024xf32, #tpu.memory_space<hbm>>, %arg7: memref<4x1024xf32, #tpu.memory_space<hbm>>, %arg8: memref<32x48x128xi32, #tpu.memory_space<hbm>>, %arg9: memref<32x48x128xf32, #tpu.memory_space<hbm>>, %arg10: memref<48x128xi32, #tpu.memory_space<vmem>>, %arg11: memref<48x128xi32, #tpu.memory_space<vmem>>, %arg12: memref<48x128xi32, #tpu.memory_space<vmem>>, %arg13: memref<48x128xf32, #tpu.memory_space<vmem>>, %arg14: memref<1024xi32, #tpu.memory_space<vmem>>, %arg15: memref<1024xf32, #tpu.memory_space<vmem>>, %arg16: memref<1024xf32, #tpu.memory_space<vmem>>, %arg17: memref<1024xf32, #tpu.memory_space<vmem>>) attributes {dimension_semantics = [#tpu.dimension_semantics<core_parallel>, #tpu.dimension_semantics<subcore_parallel>], iteration_bounds = array<i64: 2, 16>, scalar_prefetch = 0 : i64, scratch_operands = 8 : i64, tpu.core_type = #tpu.core_type<sc_vector_subcore>, window_params = [{transform_indices = #map}, {transform_indices = #map}, {transform_indices = #map1}, {transform_indices = #map1}, {transform_indices = #map1}, {transform_indices = #map1}, {transform_indices = #map}, {transform_indices = #map}]} {
    %mul3A = arith.constant 2 : i32
    %mul3A_0 = arith.muli %arg1, %mul3A : i32
    %add3A = arith.addi %mul3A_0, %arg0 : i32
    %jit3A = arith.constant 8 : i32
    %div3A = arith.divsi %add3A, %jit3A : i32
    %sign3A = arith.constant 0 : i32
    %sign3A_1 = arith.cmpi sgt, %add3A, %sign3A : i32
    %sign3A_2 = arith.extui %sign3A_1 : i1 to i32
    %sign3A_3 = arith.constant 0 : i32
    %sign3A_4 = arith.cmpi slt, %add3A, %sign3A_3 : i32
    %sign3A_5 = arith.extui %sign3A_4 : i1 to i32
    %sign3A_6 = arith.subi %sign3A_2, %sign3A_5 : i32
    %sign3A_7 = arith.constant 0 : i32
    %sign3A_8 = arith.cmpi sgt, %jit3A, %sign3A_7 : i32
    %sign3A_9 = arith.extui %sign3A_8 : i1 to i32
    %sign3A_10 = arith.constant 0 : i32
    %sign3A_11 = arith.cmpi slt, %jit3A, %sign3A_10 : i32
    %sign3A_12 = arith.extui %sign3A_11 : i1 to i32
    %sign3A_13 = arith.subi %sign3A_9, %sign3A_12 : i32
    %ne3A = arith.cmpi ne, %sign3A_6, %sign3A_13 : i32
    %rem3A = arith.remsi %add3A, %jit3A : i32
    %ne3A_14 = arith.constant 0 : i32
    %ne3A_15 = arith.cmpi ne, %rem3A, %ne3A_14 : i32
    %and3A = arith.andi %ne3A, %ne3A_15 : i1
    %sub3A = arith.constant 1 : i32
    %sub3A_16 = arith.subi %div3A, %sub3A : i32
    %select_n3A = arith.select %and3A, %sub3A_16, %div3A : i32
    "tpu.region"() ({
      %run_scoped3A = tpu.sem_alloc : memref<!tpu.dma_semaphore, #tpu.memory_space<semaphore_mem>>
      %dma_start3A = arith.constant 0 : i32
      %dma_start3A_22 = arith.constant 0 : i32
      %dma_start3A_23 = tpu.memref_slice %arg2[%add3A, %dma_start3A, %dma_start3A_22] : memref<32x48x128xi32, #tpu.memory_space<hbm>> -> memref<1x48x128xi32, #tpu.memory_space<hbm>>
      %dma_start3A_24 = tpu.memref_squeeze %dma_start3A_23 : memref<1x48x128xi32, #tpu.memory_space<hbm>> -> memref<48x128xi32, #tpu.memory_space<hbm>>
      %dma_start3A_25 = arith.constant 0 : i32
      %dma_start3A_26 = arith.constant 0 : i32
      %dma_start3A_27 = tpu.memref_slice %arg2[%add3A, %dma_start3A_25, %dma_start3A_26] : memref<32x48x128xi32, #tpu.memory_space<hbm>> -> memref<1x48x128xi32, #tpu.memory_space<hbm>>
      %dma_start3A_28 = tpu.memref_squeeze %dma_start3A_27 : memref<1x48x128xi32, #tpu.memory_space<hbm>> -> memref<48x128xi32, #tpu.memory_space<hbm>>
      tpu.enqueue_dma source(%dma_start3A_28 : memref<48x128xi32, #tpu.memory_space<hbm>>) target(%arg10 : memref<48x128xi32, #tpu.memory_space<vmem>>) target_semaphore(%run_scoped3A : memref<!tpu.dma_semaphore, #tpu.memory_space<semaphore_mem>>)
      %dma_wait3A = arith.constant 0 : i32
      %dma_wait3A_29 = arith.constant 0 : i32
      %dma_wait3A_30 = tpu.memref_slice %arg2[%add3A, %dma_wait3A, %dma_wait3A_29] : memref<32x48x128xi32, #tpu.memory_space<hbm>> -> memref<1x48x128xi32, #tpu.memory_space<hbm>>
      %dma_wait3A_31 = tpu.memref_squeeze %dma_wait3A_30 : memref<1x48x128xi32, #tpu.memory_space<hbm>> -> memref<48x128xi32, #tpu.memory_space<hbm>>
      %dma_wait3A_32 = arith.constant 0 : i32
      %dma_wait3A_33 = arith.constant 0 : i32
      %dma_wait3A_34 = tpu.memref_slice %arg2[%add3A, %dma_wait3A_32, %dma_wait3A_33] : memref<32x48x128xi32, #tpu.memory_space<hbm>> -> memref<1x48x128xi32, #tpu.memory_space<hbm>>
      %dma_wait3A_35 = tpu.memref_squeeze %dma_wait3A_34 : memref<1x48x128xi32, #tpu.memory_space<hbm>> -> memref<48x128xi32, #tpu.memory_space<hbm>>
      tpu.wait_dma2 semaphore(%run_scoped3A : memref<!tpu.dma_semaphore, #tpu.memory_space<semaphore_mem>>) src(%dma_wait3A_35 : memref<48x128xi32, #tpu.memory_space<hbm>>) dst(%arg10 : memref<48x128xi32, #tpu.memory_space<vmem>>)
      tpu.yield
    }) : () -> ()
    "tpu.region"() ({
      %run_scoped3A = tpu.sem_alloc : memref<!tpu.dma_semaphore, #tpu.memory_space<semaphore_mem>>
      %dma_start3A = arith.constant 0 : i32
      %dma_start3A_22 = arith.constant 0 : i32
      %dma_start3A_23 = tpu.memref_slice %arg3[%add3A, %dma_start3A, %dma_start3A_22] : memref<32x48x128xi32, #tpu.memory_space<hbm>> -> memref<1x48x128xi32, #tpu.memory_space<hbm>>
      %dma_start3A_24 = tpu.memref_squeeze %dma_start3A_23 : memref<1x48x128xi32, #tpu.memory_space<hbm>> -> memref<48x128xi32, #tpu.memory_space<hbm>>
      %dma_start3A_25 = arith.constant 0 : i32
      %dma_start3A_26 = arith.constant 0 : i32
      %dma_start3A_27 = tpu.memref_slice %arg3[%add3A, %dma_start3A_25, %dma_start3A_26] : memref<32x48x128xi32, #tpu.memory_space<hbm>> -> memref<1x48x128xi32, #tpu.memory_space<hbm>>
      %dma_start3A_28 = tpu.memref_squeeze %dma_start3A_27 : memref<1x48x128xi32, #tpu.memory_space<hbm>> -> memref<48x128xi32, #tpu.memory_space<hbm>>
      tpu.enqueue_dma source(%dma_start3A_28 : memref<48x128xi32, #tpu.memory_space<hbm>>) target(%arg11 : memref<48x128xi32, #tpu.memory_space<vmem>>) target_semaphore(%run_scoped3A : memref<!tpu.dma_semaphore, #tpu.memory_space<semaphore_mem>>)
      %dma_wait3A = arith.constant 0 : i32
      %dma_wait3A_29 = arith.constant 0 : i32
      %dma_wait3A_30 = tpu.memref_slice %arg3[%add3A, %dma_wait3A, %dma_wait3A_29] : memref<32x48x128xi32, #tpu.memory_space<hbm>> -> memref<1x48x128xi32, #tpu.memory_space<hbm>>
      %dma_wait3A_31 = tpu.memref_squeeze %dma_wait3A_30 : memref<1x48x128xi32, #tpu.memory_space<hbm>> -> memref<48x128xi32, #tpu.memory_space<hbm>>
      %dma_wait3A_32 = arith.constant 0 : i32
      %dma_wait3A_33 = arith.constant 0 : i32
      %dma_wait3A_34 = tpu.memref_slice %arg3[%add3A, %dma_wait3A_32, %dma_wait3A_33] : memref<32x48x128xi32, #tpu.memory_space<hbm>> -> memref<1x48x128xi32, #tpu.memory_space<hbm>>
      %dma_wait3A_35 = tpu.memref_squeeze %dma_wait3A_34 : memref<1x48x128xi32, #tpu.memory_space<hbm>> -> memref<48x128xi32, #tpu.memory_space<hbm>>
      tpu.wait_dma2 semaphore(%run_scoped3A : memref<!tpu.dma_semaphore, #tpu.memory_space<semaphore_mem>>) src(%dma_wait3A_35 : memref<48x128xi32, #tpu.memory_space<hbm>>) dst(%arg11 : memref<48x128xi32, #tpu.memory_space<vmem>>)
      tpu.yield
    }) : () -> ()
    "tpu.region"() ({
      %run_scoped3A = tpu.sem_alloc : memref<!tpu.dma_semaphore, #tpu.memory_space<semaphore_mem>>
      %dma_start3A = arith.constant 0 : i32
      %dma_start3A_22 = tpu.memref_slice %arg4[%select_n3A, %dma_start3A] : memref<4x1024xi32, #tpu.memory_space<hbm>> -> memref<1x1024xi32, #tpu.memory_space<hbm>>
      %dma_start3A_23 = tpu.memref_squeeze %dma_start3A_22 : memref<1x1024xi32, #tpu.memory_space<hbm>> -> memref<1024xi32, #tpu.memory_space<hbm>>
      %dma_start3A_24 = arith.constant 0 : i32
      %dma_start3A_25 = tpu.memref_slice %arg4[%select_n3A, %dma_start3A_24] : memref<4x1024xi32, #tpu.memory_space<hbm>> -> memref<1x1024xi32, #tpu.memory_space<hbm>>
      %dma_start3A_26 = tpu.memref_squeeze %dma_start3A_25 : memref<1x1024xi32, #tpu.memory_space<hbm>> -> memref<1024xi32, #tpu.memory_space<hbm>>
      tpu.enqueue_dma source(%dma_start3A_26 : memref<1024xi32, #tpu.memory_space<hbm>>) target(%arg14 : memref<1024xi32, #tpu.memory_space<vmem>>) target_semaphore(%run_scoped3A : memref<!tpu.dma_semaphore, #tpu.memory_space<semaphore_mem>>)
      %dma_wait3A = arith.constant 0 : i32
      %dma_wait3A_27 = tpu.memref_slice %arg4[%select_n3A, %dma_wait3A] : memref<4x1024xi32, #tpu.memory_space<hbm>> -> memref<1x1024xi32, #tpu.memory_space<hbm>>
      %dma_wait3A_28 = tpu.memref_squeeze %dma_wait3A_27 : memref<1x1024xi32, #tpu.memory_space<hbm>> -> memref<1024xi32, #tpu.memory_space<hbm>>
      %dma_wait3A_29 = arith.constant 0 : i32
      %dma_wait3A_30 = tpu.memref_slice %arg4[%select_n3A, %dma_wait3A_29] : memref<4x1024xi32, #tpu.memory_space<hbm>> -> memref<1x1024xi32, #tpu.memory_space<hbm>>
      %dma_wait3A_31 = tpu.memref_squeeze %dma_wait3A_30 : memref<1x1024xi32, #tpu.memory_space<hbm>> -> memref<1024xi32, #tpu.memory_space<hbm>>
      tpu.wait_dma2 semaphore(%run_scoped3A : memref<!tpu.dma_semaphore, #tpu.memory_space<semaphore_mem>>) src(%dma_wait3A_31 : memref<1024xi32, #tpu.memory_space<hbm>>) dst(%arg14 : memref<1024xi32, #tpu.memory_space<vmem>>)
      tpu.yield
    }) : () -> ()
    "tpu.region"() ({
      %run_scoped3A = tpu.sem_alloc : memref<!tpu.dma_semaphore, #tpu.memory_space<semaphore_mem>>
      %dma_start3A = arith.constant 0 : i32
      %dma_start3A_22 = tpu.memref_slice %arg5[%select_n3A, %dma_start3A] : memref<4x1024xf32, #tpu.memory_space<hbm>> -> memref<1x1024xf32, #tpu.memory_space<hbm>>
      %dma_start3A_23 = tpu.memref_squeeze %dma_start3A_22 : memref<1x1024xf32, #tpu.memory_space<hbm>> -> memref<1024xf32, #tpu.memory_space<hbm>>
      %dma_start3A_24 = arith.constant 0 : i32
      %dma_start3A_25 = tpu.memref_slice %arg5[%select_n3A, %dma_start3A_24] : memref<4x1024xf32, #tpu.memory_space<hbm>> -> memref<1x1024xf32, #tpu.memory_space<hbm>>
      %dma_start3A_26 = tpu.memref_squeeze %dma_start3A_25 : memref<1x1024xf32, #tpu.memory_space<hbm>> -> memref<1024xf32, #tpu.memory_space<hbm>>
      tpu.enqueue_dma source(%dma_start3A_26 : memref<1024xf32, #tpu.memory_space<hbm>>) target(%arg15 : memref<1024xf32, #tpu.memory_space<vmem>>) target_semaphore(%run_scoped3A : memref<!tpu.dma_semaphore, #tpu.memory_space<semaphore_mem>>)
      %dma_wait3A = arith.constant 0 : i32
      %dma_wait3A_27 = tpu.memref_slice %arg5[%select_n3A, %dma_wait3A] : memref<4x1024xf32, #tpu.memory_space<hbm>> -> memref<1x1024xf32, #tpu.memory_space<hbm>>
      %dma_wait3A_28 = tpu.memref_squeeze %dma_wait3A_27 : memref<1x1024xf32, #tpu.memory_space<hbm>> -> memref<1024xf32, #tpu.memory_space<hbm>>
      %dma_wait3A_29 = arith.constant 0 : i32
      %dma_wait3A_30 = tpu.memref_slice %arg5[%select_n3A, %dma_wait3A_29] : memref<4x1024xf32, #tpu.memory_space<hbm>> -> memref<1x1024xf32, #tpu.memory_space<hbm>>
      %dma_wait3A_31 = tpu.memref_squeeze %dma_wait3A_30 : memref<1x1024xf32, #tpu.memory_space<hbm>> -> memref<1024xf32, #tpu.memory_space<hbm>>
      tpu.wait_dma2 semaphore(%run_scoped3A : memref<!tpu.dma_semaphore, #tpu.memory_space<semaphore_mem>>) src(%dma_wait3A_31 : memref<1024xf32, #tpu.memory_space<hbm>>) dst(%arg15 : memref<1024xf32, #tpu.memory_space<vmem>>)
      tpu.yield
    }) : () -> ()
    "tpu.region"() ({
      %run_scoped3A = tpu.sem_alloc : memref<!tpu.dma_semaphore, #tpu.memory_space<semaphore_mem>>
      %dma_start3A = arith.constant 0 : i32
      %dma_start3A_22 = tpu.memref_slice %arg6[%select_n3A, %dma_start3A] : memref<4x1024xf32, #tpu.memory_space<hbm>> -> memref<1x1024xf32, #tpu.memory_space<hbm>>
      %dma_start3A_23 = tpu.memref_squeeze %dma_start3A_22 : memref<1x1024xf32, #tpu.memory_space<hbm>> -> memref<1024xf32, #tpu.memory_space<hbm>>
      %dma_start3A_24 = arith.constant 0 : i32
      %dma_start3A_25 = tpu.memref_slice %arg6[%select_n3A, %dma_start3A_24] : memref<4x1024xf32, #tpu.memory_space<hbm>> -> memref<1x1024xf32, #tpu.memory_space<hbm>>
      %dma_start3A_26 = tpu.memref_squeeze %dma_start3A_25 : memref<1x1024xf32, #tpu.memory_space<hbm>> -> memref<1024xf32, #tpu.memory_space<hbm>>
      tpu.enqueue_dma source(%dma_start3A_26 : memref<1024xf32, #tpu.memory_space<hbm>>) target(%arg16 : memref<1024xf32, #tpu.memory_space<vmem>>) target_semaphore(%run_scoped3A : memref<!tpu.dma_semaphore, #tpu.memory_space<semaphore_mem>>)
      %dma_wait3A = arith.constant 0 : i32
      %dma_wait3A_27 = tpu.memref_slice %arg6[%select_n3A, %dma_wait3A] : memref<4x1024xf32, #tpu.memory_space<hbm>> -> memref<1x1024xf32, #tpu.memory_space<hbm>>
      %dma_wait3A_28 = tpu.memref_squeeze %dma_wait3A_27 : memref<1x1024xf32, #tpu.memory_space<hbm>> -> memref<1024xf32, #tpu.memory_space<hbm>>
      %dma_wait3A_29 = arith.constant 0 : i32
      %dma_wait3A_30 = tpu.memref_slice %arg6[%select_n3A, %dma_wait3A_29] : memref<4x1024xf32, #tpu.memory_space<hbm>> -> memref<1x1024xf32, #tpu.memory_space<hbm>>
      %dma_wait3A_31 = tpu.memref_squeeze %dma_wait3A_30 : memref<1x1024xf32, #tpu.memory_space<hbm>> -> memref<1024xf32, #tpu.memory_space<hbm>>
      tpu.wait_dma2 semaphore(%run_scoped3A : memref<!tpu.dma_semaphore, #tpu.memory_space<semaphore_mem>>) src(%dma_wait3A_31 : memref<1024xf32, #tpu.memory_space<hbm>>) dst(%arg16 : memref<1024xf32, #tpu.memory_space<vmem>>)
      tpu.yield
    }) : () -> ()
    "tpu.region"() ({
      %run_scoped3A = tpu.sem_alloc : memref<!tpu.dma_semaphore, #tpu.memory_space<semaphore_mem>>
      %dma_start3A = arith.constant 0 : i32
      %dma_start3A_22 = tpu.memref_slice %arg7[%select_n3A, %dma_start3A] : memref<4x1024xf32, #tpu.memory_space<hbm>> -> memref<1x1024xf32, #tpu.memory_space<hbm>>
      %dma_start3A_23 = tpu.memref_squeeze %dma_start3A_22 : memref<1x1024xf32, #tpu.memory_space<hbm>> -> memref<1024xf32, #tpu.memory_space<hbm>>
      %dma_start3A_24 = arith.constant 0 : i32
      %dma_start3A_25 = tpu.memref_slice %arg7[%select_n3A, %dma_start3A_24] : memref<4x1024xf32, #tpu.memory_space<hbm>> -> memref<1x1024xf32, #tpu.memory_space<hbm>>
      %dma_start3A_26 = tpu.memref_squeeze %dma_start3A_25 : memref<1x1024xf32, #tpu.memory_space<hbm>> -> memref<1024xf32, #tpu.memory_space<hbm>>
      tpu.enqueue_dma source(%dma_start3A_26 : memref<1024xf32, #tpu.memory_space<hbm>>) target(%arg17 : memref<1024xf32, #tpu.memory_space<vmem>>) target_semaphore(%run_scoped3A : memref<!tpu.dma_semaphore, #tpu.memory_space<semaphore_mem>>)
      %dma_wait3A = arith.constant 0 : i32
      %dma_wait3A_27 = tpu.memref_slice %arg7[%select_n3A, %dma_wait3A] : memref<4x1024xf32, #tpu.memory_space<hbm>> -> memref<1x1024xf32, #tpu.memory_space<hbm>>
      %dma_wait3A_28 = tpu.memref_squeeze %dma_wait3A_27 : memref<1x1024xf32, #tpu.memory_space<hbm>> -> memref<1024xf32, #tpu.memory_space<hbm>>
      %dma_wait3A_29 = arith.constant 0 : i32
      %dma_wait3A_30 = tpu.memref_slice %arg7[%select_n3A, %dma_wait3A_29] : memref<4x1024xf32, #tpu.memory_space<hbm>> -> memref<1x1024xf32, #tpu.memory_space<hbm>>
      %dma_wait3A_31 = tpu.memref_squeeze %dma_wait3A_30 : memref<1x1024xf32, #tpu.memory_space<hbm>> -> memref<1024xf32, #tpu.memory_space<hbm>>
      tpu.wait_dma2 semaphore(%run_scoped3A : memref<!tpu.dma_semaphore, #tpu.memory_space<semaphore_mem>>) src(%dma_wait3A_31 : memref<1024xf32, #tpu.memory_space<hbm>>) dst(%arg17 : memref<1024xf32, #tpu.memory_space<vmem>>)
      tpu.yield
    }) : () -> ()
    %scan3A = arith.constant 0 : i32
    %scan3A_17 = arith.constant 0 : i32
    %scan3A_18 = arith.constant 48 : i32
    %scan3A_19 = arith.addi %scan3A_17, %scan3A_18 : i32
    %scan3A_20 = arith.constant 1 : i32
    scf.for %scan3A_22 = %scan3A_17 to %scan3A_19 step %scan3A_20  : i32 {
      %get3A = arith.index_cast %scan3A_22 : i32 to index
      %get3A_23 = arith.constant 0 : index
      %get3A_24 = tpu.vector_load %arg10[%get3A, %get3A_23] {strides = array<i32>} : memref<48x128xi32, #tpu.memory_space<vmem>>, vector<16xi32>,
      %gather3A = tpu.vector_load_idx %arg14[%get3A_24] : memref<1024xi32, #tpu.memory_space<vmem>>[vector<16xi32>], vector<16xi32>,
      %swap3A = arith.index_cast %scan3A_22 : i32 to index
      %swap3A_25 = arith.constant 0 : index
      %swap3A_26 = tpu.vector_load %arg12[%swap3A, %swap3A_25] {strides = array<i32>} : memref<48x128xi32, #tpu.memory_space<vmem>>, vector<16xi32>,
      tpu.vector_store %arg12[%swap3A, %swap3A_25], %gather3A {strides = array<i32>} : memref<48x128xi32, #tpu.memory_space<vmem>>, vector<16xi32>,
      %gather3A_27 = tpu.vector_load_idx %arg15[%get3A_24] : memref<1024xf32, #tpu.memory_space<vmem>>[vector<16xi32>], vector<16xf32>,
      %gather3A_28 = tpu.vector_load_idx %arg16[%get3A_24] : memref<1024xf32, #tpu.memory_space<vmem>>[vector<16xi32>], vector<16xf32>,
      %gather3A_29 = tpu.vector_load_idx %arg17[%get3A_24] : memref<1024xf32, #tpu.memory_space<vmem>>[vector<16xi32>], vector<16xf32>,
      %get3A_30 = arith.index_cast %scan3A_22 : i32 to index
      %get3A_31 = arith.constant 0 : index
      %get3A_32 = tpu.vector_load %arg11[%get3A_30, %get3A_31] {strides = array<i32>} : memref<48x128xi32, #tpu.memory_space<vmem>>, vector<16xi32>,
      %gather3A_33 = tpu.vector_load_idx %arg15[%get3A_32] : memref<1024xf32, #tpu.memory_space<vmem>>[vector<16xi32>], vector<16xf32>,
      %gather3A_34 = tpu.vector_load_idx %arg16[%get3A_32] : memref<1024xf32, #tpu.memory_space<vmem>>[vector<16xi32>], vector<16xf32>,
      %gather3A_35 = tpu.vector_load_idx %arg17[%get3A_32] : memref<1024xf32, #tpu.memory_space<vmem>>[vector<16xi32>], vector<16xf32>,
      %sub3A_36 = arith.subf %gather3A_27, %gather3A_33 : vector<16xf32>
      %sub3A_37 = arith.subf %gather3A_28, %gather3A_34 : vector<16xf32>
      %sub3A_38 = arith.subf %gather3A_29, %gather3A_35 : vector<16xf32>
      %mul3A_39 = arith.mulf %sub3A_36, %sub3A_36 : vector<16xf32>
      %mul3A_40 = arith.mulf %sub3A_37, %sub3A_37 : vector<16xf32>
      %add3A_41 = arith.addf %mul3A_39, %mul3A_40 : vector<16xf32>
      %mul3A_42 = arith.mulf %sub3A_38, %sub3A_38 : vector<16xf32>
      %add3A_43 = arith.addf %add3A_41, %mul3A_42 : vector<16xf32>
      %swap3A_44 = arith.index_cast %scan3A_22 : i32 to index
      %swap3A_45 = arith.constant 0 : index
      %swap3A_46 = tpu.vector_load %arg13[%swap3A_44, %swap3A_45] {strides = array<i32>} : memref<48x128xf32, #tpu.memory_space<vmem>>, vector<16xf32>,
      tpu.vector_store %arg13[%swap3A_44, %swap3A_45], %add3A_43 {strides = array<i32>} : memref<48x128xf32, #tpu.memory_space<vmem>>, vector<16xf32>,
      %get3A_47 = arith.index_cast %scan3A_22 : i32 to index
      %get3A_48 = arith.constant 16 : index
      %get3A_49 = tpu.vector_load %arg10[%get3A_47, %get3A_48] {strides = array<i32>} : memref<48x128xi32, #tpu.memory_space<vmem>>, vector<16xi32>,
      %gather3A_50 = tpu.vector_load_idx %arg14[%get3A_49] : memref<1024xi32, #tpu.memory_space<vmem>>[vector<16xi32>], vector<16xi32>,
      %swap3A_51 = arith.index_cast %scan3A_22 : i32 to index
      %swap3A_52 = arith.constant 16 : index
      %swap3A_53 = tpu.vector_load %arg12[%swap3A_51, %swap3A_52] {strides = array<i32>} : memref<48x128xi32, #tpu.memory_space<vmem>>, vector<16xi32>,
      tpu.vector_store %arg12[%swap3A_51, %swap3A_52], %gather3A_50 {strides = array<i32>} : memref<48x128xi32, #tpu.memory_space<vmem>>, vector<16xi32>,
      %gather3A_54 = tpu.vector_load_idx %arg15[%get3A_49] : memref<1024xf32, #tpu.memory_space<vmem>>[vector<16xi32>], vector<16xf32>,
      %gather3A_55 = tpu.vector_load_idx %arg16[%get3A_49] : memref<1024xf32, #tpu.memory_space<vmem>>[vector<16xi32>], vector<16xf32>,
      %gather3A_56 = tpu.vector_load_idx %arg17[%get3A_49] : memref<1024xf32, #tpu.memory_space<vmem>>[vector<16xi32>], vector<16xf32>,
      %get3A_57 = arith.index_cast %scan3A_22 : i32 to index
      %get3A_58 = arith.constant 16 : index
      %get3A_59 = tpu.vector_load %arg11[%get3A_57, %get3A_58] {strides = array<i32>} : memref<48x128xi32, #tpu.memory_space<vmem>>, vector<16xi32>,
      %gather3A_60 = tpu.vector_load_idx %arg15[%get3A_59] : memref<1024xf32, #tpu.memory_space<vmem>>[vector<16xi32>], vector<16xf32>,
      %gather3A_61 = tpu.vector_load_idx %arg16[%get3A_59] : memref<1024xf32, #tpu.memory_space<vmem>>[vector<16xi32>], vector<16xf32>,
      %gather3A_62 = tpu.vector_load_idx %arg17[%get3A_59] : memref<1024xf32, #tpu.memory_space<vmem>>[vector<16xi32>], vector<16xf32>,
      %sub3A_63 = arith.subf %gather3A_54, %gather3A_60 : vector<16xf32>
      %sub3A_64 = arith.subf %gather3A_55, %gather3A_61 : vector<16xf32>
      %sub3A_65 = arith.subf %gather3A_56, %gather3A_62 : vector<16xf32>
      %mul3A_66 = arith.mulf %sub3A_63, %sub3A_63 : vector<16xf32>
      %mul3A_67 = arith.mulf %sub3A_64, %sub3A_64 : vector<16xf32>
      %add3A_68 = arith.addf %mul3A_66, %mul3A_67 : vector<16xf32>
      %mul3A_69 = arith.mulf %sub3A_65, %sub3A_65 : vector<16xf32>
      %add3A_70 = arith.addf %add3A_68, %mul3A_69 : vector<16xf32>
      %swap3A_71 = arith.index_cast %scan3A_22 : i32 to index
      %swap3A_72 = arith.constant 16 : index
      %swap3A_73 = tpu.vector_load %arg13[%swap3A_71, %swap3A_72] {strides = array<i32>} : memref<48x128xf32, #tpu.memory_space<vmem>>, vector<16xf32>,
      tpu.vector_store %arg13[%swap3A_71, %swap3A_72], %add3A_70 {strides = array<i32>} : memref<48x128xf32, #tpu.memory_space<vmem>>, vector<16xf32>,
      %get3A_74 = arith.index_cast %scan3A_22 : i32 to index
      %get3A_75 = arith.constant 32 : index
      %get3A_76 = tpu.vector_load %arg10[%get3A_74, %get3A_75] {strides = array<i32>} : memref<48x128xi32, #tpu.memory_space<vmem>>, vector<16xi32>,
      %gather3A_77 = tpu.vector_load_idx %arg14[%get3A_76] : memref<1024xi32, #tpu.memory_space<vmem>>[vector<16xi32>], vector<16xi32>,
      %swap3A_78 = arith.index_cast %scan3A_22 : i32 to index
      %swap3A_79 = arith.constant 32 : index
      %swap3A_80 = tpu.vector_load %arg12[%swap3A_78, %swap3A_79] {strides = array<i32>} : memref<48x128xi32, #tpu.memory_space<vmem>>, vector<16xi32>,
      tpu.vector_store %arg12[%swap3A_78, %swap3A_79], %gather3A_77 {strides = array<i32>} : memref<48x128xi32, #tpu.memory_space<vmem>>, vector<16xi32>,
      %gather3A_81 = tpu.vector_load_idx %arg15[%get3A_76] : memref<1024xf32, #tpu.memory_space<vmem>>[vector<16xi32>], vector<16xf32>,
      %gather3A_82 = tpu.vector_load_idx %arg16[%get3A_76] : memref<1024xf32, #tpu.memory_space<vmem>>[vector<16xi32>], vector<16xf32>,
      %gather3A_83 = tpu.vector_load_idx %arg17[%get3A_76] : memref<1024xf32, #tpu.memory_space<vmem>>[vector<16xi32>], vector<16xf32>,
      %get3A_84 = arith.index_cast %scan3A_22 : i32 to index
      %get3A_85 = arith.constant 32 : index
      %get3A_86 = tpu.vector_load %arg11[%get3A_84, %get3A_85] {strides = array<i32>} : memref<48x128xi32, #tpu.memory_space<vmem>>, vector<16xi32>,
      %gather3A_87 = tpu.vector_load_idx %arg15[%get3A_86] : memref<1024xf32, #tpu.memory_space<vmem>>[vector<16xi32>], vector<16xf32>,
      %gather3A_88 = tpu.vector_load_idx %arg16[%get3A_86] : memref<1024xf32, #tpu.memory_space<vmem>>[vector<16xi32>], vector<16xf32>,
      %gather3A_89 = tpu.vector_load_idx %arg17[%get3A_86] : memref<1024xf32, #tpu.memory_space<vmem>>[vector<16xi32>], vector<16xf32>,
      %sub3A_90 = arith.subf %gather3A_81, %gather3A_87 : vector<16xf32>
      %sub3A_91 = arith.subf %gather3A_82, %gather3A_88 : vector<16xf32>
      %sub3A_92 = arith.subf %gather3A_83, %gather3A_89 : vector<16xf32>
      %mul3A_93 = arith.mulf %sub3A_90, %sub3A_90 : vector<16xf32>
      %mul3A_94 = arith.mulf %sub3A_91, %sub3A_91 : vector<16xf32>
      %add3A_95 = arith.addf %mul3A_93, %mul3A_94 : vector<16xf32>
      %mul3A_96 = arith.mulf %sub3A_92, %sub3A_92 : vector<16xf32>
      %add3A_97 = arith.addf %add3A_95, %mul3A_96 : vector<16xf32>
      %swap3A_98 = arith.index_cast %scan3A_22 : i32 to index
      %swap3A_99 = arith.constant 32 : index
      %swap3A_100 = tpu.vector_load %arg13[%swap3A_98, %swap3A_99] {strides = array<i32>} : memref<48x128xf32, #tpu.memory_space<vmem>>, vector<16xf32>,
      tpu.vector_store %arg13[%swap3A_98, %swap3A_99], %add3A_97 {strides = array<i32>} : memref<48x128xf32, #tpu.memory_space<vmem>>, vector<16xf32>,
      %get3A_101 = arith.index_cast %scan3A_22 : i32 to index
      %get3A_102 = arith.constant 48 : index
      %get3A_103 = tpu.vector_load %arg10[%get3A_101, %get3A_102] {strides = array<i32>} : memref<48x128xi32, #tpu.memory_space<vmem>>, vector<16xi32>,
      %gather3A_104 = tpu.vector_load_idx %arg14[%get3A_103] : memref<1024xi32, #tpu.memory_space<vmem>>[vector<16xi32>], vector<16xi32>,
      %swap3A_105 = arith.index_cast %scan3A_22 : i32 to index
      %swap3A_106 = arith.constant 48 : index
      %swap3A_107 = tpu.vector_load %arg12[%swap3A_105, %swap3A_106] {strides = array<i32>} : memref<48x128xi32, #tpu.memory_space<vmem>>, vector<16xi32>,
      tpu.vector_store %arg12[%swap3A_105, %swap3A_106], %gather3A_104 {strides = array<i32>} : memref<48x128xi32, #tpu.memory_space<vmem>>, vector<16xi32>,
      %gather3A_108 = tpu.vector_load_idx %arg15[%get3A_103] : memref<1024xf32, #tpu.memory_space<vmem>>[vector<16xi32>], vector<16xf32>,
      %gather3A_109 = tpu.vector_load_idx %arg16[%get3A_103] : memref<1024xf32, #tpu.memory_space<vmem>>[vector<16xi32>], vector<16xf32>,
      %gather3A_110 = tpu.vector_load_idx %arg17[%get3A_103] : memref<1024xf32, #tpu.memory_space<vmem>>[vector<16xi32>], vector<16xf32>,
      %get3A_111 = arith.index_cast %scan3A_22 : i32 to index
      %get3A_112 = arith.constant 48 : index
      %get3A_113 = tpu.vector_load %arg11[%get3A_111, %get3A_112] {strides = array<i32>} : memref<48x128xi32, #tpu.memory_space<vmem>>, vector<16xi32>,
      %gather3A_114 = tpu.vector_load_idx %arg15[%get3A_113] : memref<1024xf32, #tpu.memory_space<vmem>>[vector<16xi32>], vector<16xf32>,
      %gather3A_115 = tpu.vector_load_idx %arg16[%get3A_113] : memref<1024xf32, #tpu.memory_space<vmem>>[vector<16xi32>], vector<16xf32>,
      %gather3A_116 = tpu.vector_load_idx %arg17[%get3A_113] : memref<1024xf32, #tpu.memory_space<vmem>>[vector<16xi32>], vector<16xf32>,
      %sub3A_117 = arith.subf %gather3A_108, %gather3A_114 : vector<16xf32>
      %sub3A_118 = arith.subf %gather3A_109, %gather3A_115 : vector<16xf32>
      %sub3A_119 = arith.subf %gather3A_110, %gather3A_116 : vector<16xf32>
      %mul3A_120 = arith.mulf %sub3A_117, %sub3A_117 : vector<16xf32>
      %mul3A_121 = arith.mulf %sub3A_118, %sub3A_118 : vector<16xf32>
      %add3A_122 = arith.addf %mul3A_120, %mul3A_121 : vector<16xf32>
      %mul3A_123 = arith.mulf %sub3A_119, %sub3A_119 : vector<16xf32>
      %add3A_124 = arith.addf %add3A_122, %mul3A_123 : vector<16xf32>
      %swap3A_125 = arith.index_cast %scan3A_22 : i32 to index
      %swap3A_126 = arith.constant 48 : index
      %swap3A_127 = tpu.vector_load %arg13[%swap3A_125, %swap3A_126] {strides = array<i32>} : memref<48x128xf32, #tpu.memory_space<vmem>>, vector<16xf32>,
      tpu.vector_store %arg13[%swap3A_125, %swap3A_126], %add3A_124 {strides = array<i32>} : memref<48x128xf32, #tpu.memory_space<vmem>>, vector<16xf32>,
      %get3A_128 = arith.index_cast %scan3A_22 : i32 to index
      %get3A_129 = arith.constant 64 : index
      %get3A_130 = tpu.vector_load %arg10[%get3A_128, %get3A_129] {strides = array<i32>} : memref<48x128xi32, #tpu.memory_space<vmem>>, vector<16xi32>,
      %gather3A_131 = tpu.vector_load_idx %arg14[%get3A_130] : memref<1024xi32, #tpu.memory_space<vmem>>[vector<16xi32>], vector<16xi32>,
      %swap3A_132 = arith.index_cast %scan3A_22 : i32 to index
      %swap3A_133 = arith.constant 64 : index
      %swap3A_134 = tpu.vector_load %arg12[%swap3A_132, %swap3A_133] {strides = array<i32>} : memref<48x128xi32, #tpu.memory_space<vmem>>, vector<16xi32>,
      tpu.vector_store %arg12[%swap3A_132, %swap3A_133], %gather3A_131 {strides = array<i32>} : memref<48x128xi32, #tpu.memory_space<vmem>>, vector<16xi32>,
      %gather3A_135 = tpu.vector_load_idx %arg15[%get3A_130] : memref<1024xf32, #tpu.memory_space<vmem>>[vector<16xi32>], vector<16xf32>,
      %gather3A_136 = tpu.vector_load_idx %arg16[%get3A_130] : memref<1024xf32, #tpu.memory_space<vmem>>[vector<16xi32>], vector<16xf32>,
      %gather3A_137 = tpu.vector_load_idx %arg17[%get3A_130] : memref<1024xf32, #tpu.memory_space<vmem>>[vector<16xi32>], vector<16xf32>,
      %get3A_138 = arith.index_cast %scan3A_22 : i32 to index
      %get3A_139 = arith.constant 64 : index
      %get3A_140 = tpu.vector_load %arg11[%get3A_138, %get3A_139] {strides = array<i32>} : memref<48x128xi32, #tpu.memory_space<vmem>>, vector<16xi32>,
      %gather3A_141 = tpu.vector_load_idx %arg15[%get3A_140] : memref<1024xf32, #tpu.memory_space<vmem>>[vector<16xi32>], vector<16xf32>,
      %gather3A_142 = tpu.vector_load_idx %arg16[%get3A_140] : memref<1024xf32, #tpu.memory_space<vmem>>[vector<16xi32>], vector<16xf32>,
      %gather3A_143 = tpu.vector_load_idx %arg17[%get3A_140] : memref<1024xf32, #tpu.memory_space<vmem>>[vector<16xi32>], vector<16xf32>,
      %sub3A_144 = arith.subf %gather3A_135, %gather3A_141 : vector<16xf32>
      %sub3A_145 = arith.subf %gather3A_136, %gather3A_142 : vector<16xf32>
      %sub3A_146 = arith.subf %gather3A_137, %gather3A_143 : vector<16xf32>
      %mul3A_147 = arith.mulf %sub3A_144, %sub3A_144 : vector<16xf32>
      %mul3A_148 = arith.mulf %sub3A_145, %sub3A_145 : vector<16xf32>
      %add3A_149 = arith.addf %mul3A_147, %mul3A_148 : vector<16xf32>
      %mul3A_150 = arith.mulf %sub3A_146, %sub3A_146 : vector<16xf32>
      %add3A_151 = arith.addf %add3A_149, %mul3A_150 : vector<16xf32>
      %swap3A_152 = arith.index_cast %scan3A_22 : i32 to index
      %swap3A_153 = arith.constant 64 : index
      %swap3A_154 = tpu.vector_load %arg13[%swap3A_152, %swap3A_153] {strides = array<i32>} : memref<48x128xf32, #tpu.memory_space<vmem>>, vector<16xf32>,
      tpu.vector_store %arg13[%swap3A_152, %swap3A_153], %add3A_151 {strides = array<i32>} : memref<48x128xf32, #tpu.memory_space<vmem>>, vector<16xf32>,
      %get3A_155 = arith.index_cast %scan3A_22 : i32 to index
      %get3A_156 = arith.constant 80 : index
      %get3A_157 = tpu.vector_load %arg10[%get3A_155, %get3A_156] {strides = array<i32>} : memref<48x128xi32, #tpu.memory_space<vmem>>, vector<16xi32>,
      %gather3A_158 = tpu.vector_load_idx %arg14[%get3A_157] : memref<1024xi32, #tpu.memory_space<vmem>>[vector<16xi32>], vector<16xi32>,
      %swap3A_159 = arith.index_cast %scan3A_22 : i32 to index
      %swap3A_160 = arith.constant 80 : index
      %swap3A_161 = tpu.vector_load %arg12[%swap3A_159, %swap3A_160] {strides = array<i32>} : memref<48x128xi32, #tpu.memory_space<vmem>>, vector<16xi32>,
      tpu.vector_store %arg12[%swap3A_159, %swap3A_160], %gather3A_158 {strides = array<i32>} : memref<48x128xi32, #tpu.memory_space<vmem>>, vector<16xi32>,
      %gather3A_162 = tpu.vector_load_idx %arg15[%get3A_157] : memref<1024xf32, #tpu.memory_space<vmem>>[vector<16xi32>], vector<16xf32>,
      %gather3A_163 = tpu.vector_load_idx %arg16[%get3A_157] : memref<1024xf32, #tpu.memory_space<vmem>>[vector<16xi32>], vector<16xf32>,
      %gather3A_164 = tpu.vector_load_idx %arg17[%get3A_157] : memref<1024xf32, #tpu.memory_space<vmem>>[vector<16xi32>], vector<16xf32>,
      %get3A_165 = arith.index_cast %scan3A_22 : i32 to index
      %get3A_166 = arith.constant 80 : index
      %get3A_167 = tpu.vector_load %arg11[%get3A_165, %get3A_166] {strides = array<i32>} : memref<48x128xi32, #tpu.memory_space<vmem>>, vector<16xi32>,
      %gather3A_168 = tpu.vector_load_idx %arg15[%get3A_167] : memref<1024xf32, #tpu.memory_space<vmem>>[vector<16xi32>], vector<16xf32>,
      %gather3A_169 = tpu.vector_load_idx %arg16[%get3A_167] : memref<1024xf32, #tpu.memory_space<vmem>>[vector<16xi32>], vector<16xf32>,
      %gather3A_170 = tpu.vector_load_idx %arg17[%get3A_167] : memref<1024xf32, #tpu.memory_space<vmem>>[vector<16xi32>], vector<16xf32>,
      %sub3A_171 = arith.subf %gather3A_162, %gather3A_168 : vector<16xf32>
      %sub3A_172 = arith.subf %gather3A_163, %gather3A_169 : vector<16xf32>
      %sub3A_173 = arith.subf %gather3A_164, %gather3A_170 : vector<16xf32>
      %mul3A_174 = arith.mulf %sub3A_171, %sub3A_171 : vector<16xf32>
      %mul3A_175 = arith.mulf %sub3A_172, %sub3A_172 : vector<16xf32>
      %add3A_176 = arith.addf %mul3A_174, %mul3A_175 : vector<16xf32>
      %mul3A_177 = arith.mulf %sub3A_173, %sub3A_173 : vector<16xf32>
      %add3A_178 = arith.addf %add3A_176, %mul3A_177 : vector<16xf32>
      %swap3A_179 = arith.index_cast %scan3A_22 : i32 to index
      %swap3A_180 = arith.constant 80 : index
      %swap3A_181 = tpu.vector_load %arg13[%swap3A_179, %swap3A_180] {strides = array<i32>} : memref<48x128xf32, #tpu.memory_space<vmem>>, vector<16xf32>,
      tpu.vector_store %arg13[%swap3A_179, %swap3A_180], %add3A_178 {strides = array<i32>} : memref<48x128xf32, #tpu.memory_space<vmem>>, vector<16xf32>,
      %get3A_182 = arith.index_cast %scan3A_22 : i32 to index
      %get3A_183 = arith.constant 96 : index
      %get3A_184 = tpu.vector_load %arg10[%get3A_182, %get3A_183] {strides = array<i32>} : memref<48x128xi32, #tpu.memory_space<vmem>>, vector<16xi32>,
      %gather3A_185 = tpu.vector_load_idx %arg14[%get3A_184] : memref<1024xi32, #tpu.memory_space<vmem>>[vector<16xi32>], vector<16xi32>,
      %swap3A_186 = arith.index_cast %scan3A_22 : i32 to index
      %swap3A_187 = arith.constant 96 : index
      %swap3A_188 = tpu.vector_load %arg12[%swap3A_186, %swap3A_187] {strides = array<i32>} : memref<48x128xi32, #tpu.memory_space<vmem>>, vector<16xi32>,
      tpu.vector_store %arg12[%swap3A_186, %swap3A_187], %gather3A_185 {strides = array<i32>} : memref<48x128xi32, #tpu.memory_space<vmem>>, vector<16xi32>,
      %gather3A_189 = tpu.vector_load_idx %arg15[%get3A_184] : memref<1024xf32, #tpu.memory_space<vmem>>[vector<16xi32>], vector<16xf32>,
      %gather3A_190 = tpu.vector_load_idx %arg16[%get3A_184] : memref<1024xf32, #tpu.memory_space<vmem>>[vector<16xi32>], vector<16xf32>,
      %gather3A_191 = tpu.vector_load_idx %arg17[%get3A_184] : memref<1024xf32, #tpu.memory_space<vmem>>[vector<16xi32>], vector<16xf32>,
      %get3A_192 = arith.index_cast %scan3A_22 : i32 to index
      %get3A_193 = arith.constant 96 : index
      %get3A_194 = tpu.vector_load %arg11[%get3A_192, %get3A_193] {strides = array<i32>} : memref<48x128xi32, #tpu.memory_space<vmem>>, vector<16xi32>,
      %gather3A_195 = tpu.vector_load_idx %arg15[%get3A_194] : memref<1024xf32, #tpu.memory_space<vmem>>[vector<16xi32>], vector<16xf32>,
      %gather3A_196 = tpu.vector_load_idx %arg16[%get3A_194] : memref<1024xf32, #tpu.memory_space<vmem>>[vector<16xi32>], vector<16xf32>,
      %gather3A_197 = tpu.vector_load_idx %arg17[%get3A_194] : memref<1024xf32, #tpu.memory_space<vmem>>[vector<16xi32>], vector<16xf32>,
      %sub3A_198 = arith.subf %gather3A_189, %gather3A_195 : vector<16xf32>
      %sub3A_199 = arith.subf %gather3A_190, %gather3A_196 : vector<16xf32>
      %sub3A_200 = arith.subf %gather3A_191, %gather3A_197 : vector<16xf32>
      %mul3A_201 = arith.mulf %sub3A_198, %sub3A_198 : vector<16xf32>
      %mul3A_202 = arith.mulf %sub3A_199, %sub3A_199 : vector<16xf32>
      %add3A_203 = arith.addf %mul3A_201, %mul3A_202 : vector<16xf32>
      %mul3A_204 = arith.mulf %sub3A_200, %sub3A_200 : vector<16xf32>
      %add3A_205 = arith.addf %add3A_203, %mul3A_204 : vector<16xf32>
      %swap3A_206 = arith.index_cast %scan3A_22 : i32 to index
      %swap3A_207 = arith.constant 96 : index
      %swap3A_208 = tpu.vector_load %arg13[%swap3A_206, %swap3A_207] {strides = array<i32>} : memref<48x128xf32, #tpu.memory_space<vmem>>, vector<16xf32>,
      tpu.vector_store %arg13[%swap3A_206, %swap3A_207], %add3A_205 {strides = array<i32>} : memref<48x128xf32, #tpu.memory_space<vmem>>, vector<16xf32>,
      %get3A_209 = arith.index_cast %scan3A_22 : i32 to index
      %get3A_210 = arith.constant 112 : index
      %get3A_211 = tpu.vector_load %arg10[%get3A_209, %get3A_210] {strides = array<i32>} : memref<48x128xi32, #tpu.memory_space<vmem>>, vector<16xi32>,
      %gather3A_212 = tpu.vector_load_idx %arg14[%get3A_211] : memref<1024xi32, #tpu.memory_space<vmem>>[vector<16xi32>], vector<16xi32>,
      %swap3A_213 = arith.index_cast %scan3A_22 : i32 to index
      %swap3A_214 = arith.constant 112 : index
      %swap3A_215 = tpu.vector_load %arg12[%swap3A_213, %swap3A_214] {strides = array<i32>} : memref<48x128xi32, #tpu.memory_space<vmem>>, vector<16xi32>,
      tpu.vector_store %arg12[%swap3A_213, %swap3A_214], %gather3A_212 {strides = array<i32>} : memref<48x128xi32, #tpu.memory_space<vmem>>, vector<16xi32>,
      %gather3A_216 = tpu.vector_load_idx %arg15[%get3A_211] : memref<1024xf32, #tpu.memory_space<vmem>>[vector<16xi32>], vector<16xf32>,
      %gather3A_217 = tpu.vector_load_idx %arg16[%get3A_211] : memref<1024xf32, #tpu.memory_space<vmem>>[vector<16xi32>], vector<16xf32>,
      %gather3A_218 = tpu.vector_load_idx %arg17[%get3A_211] : memref<1024xf32, #tpu.memory_space<vmem>>[vector<16xi32>], vector<16xf32>,
      %get3A_219 = arith.index_cast %scan3A_22 : i32 to index
      %get3A_220 = arith.constant 112 : index
      %get3A_221 = tpu.vector_load %arg11[%get3A_219, %get3A_220] {strides = array<i32>} : memref<48x128xi32, #tpu.memory_space<vmem>>, vector<16xi32>,
      %gather3A_222 = tpu.vector_load_idx %arg15[%get3A_221] : memref<1024xf32, #tpu.memory_space<vmem>>[vector<16xi32>], vector<16xf32>,
      %gather3A_223 = tpu.vector_load_idx %arg16[%get3A_221] : memref<1024xf32, #tpu.memory_space<vmem>>[vector<16xi32>], vector<16xf32>,
      %gather3A_224 = tpu.vector_load_idx %arg17[%get3A_221] : memref<1024xf32, #tpu.memory_space<vmem>>[vector<16xi32>], vector<16xf32>,
      %sub3A_225 = arith.subf %gather3A_216, %gather3A_222 : vector<16xf32>
      %sub3A_226 = arith.subf %gather3A_217, %gather3A_223 : vector<16xf32>
      %sub3A_227 = arith.subf %gather3A_218, %gather3A_224 : vector<16xf32>
      %mul3A_228 = arith.mulf %sub3A_225, %sub3A_225 : vector<16xf32>
      %mul3A_229 = arith.mulf %sub3A_226, %sub3A_226 : vector<16xf32>
      %add3A_230 = arith.addf %mul3A_228, %mul3A_229 : vector<16xf32>
      %mul3A_231 = arith.mulf %sub3A_227, %sub3A_227 : vector<16xf32>
      %add3A_232 = arith.addf %add3A_230, %mul3A_231 : vector<16xf32>
      %swap3A_233 = arith.index_cast %scan3A_22 : i32 to index
      %swap3A_234 = arith.constant 112 : index
      %swap3A_235 = tpu.vector_load %arg13[%swap3A_233, %swap3A_234] {strides = array<i32>} : memref<48x128xf32, #tpu.memory_space<vmem>>, vector<16xf32>,
      tpu.vector_store %arg13[%swap3A_233, %swap3A_234], %add3A_232 {strides = array<i32>} : memref<48x128xf32, #tpu.memory_space<vmem>>, vector<16xf32>,
    }
    %scan3A_21 = arith.constant 48 : i32
    "tpu.region"() ({
      %run_scoped3A = tpu.sem_alloc : memref<!tpu.dma_semaphore, #tpu.memory_space<semaphore_mem>>
      %dma_start3A = arith.constant 0 : i32
      %dma_start3A_22 = arith.constant 0 : i32
      %dma_start3A_23 = tpu.memref_slice %arg8[%add3A, %dma_start3A, %dma_start3A_22] : memref<32x48x128xi32, #tpu.memory_space<hbm>> -> memref<1x48x128xi32, #tpu.memory_space<hbm>>
      %dma_start3A_24 = tpu.memref_squeeze %dma_start3A_23 : memref<1x48x128xi32, #tpu.memory_space<hbm>> -> memref<48x128xi32, #tpu.memory_space<hbm>>
      %dma_start3A_25 = arith.constant 0 : i32
      %dma_start3A_26 = arith.constant 0 : i32
      %dma_start3A_27 = tpu.memref_slice %arg8[%add3A, %dma_start3A_25, %dma_start3A_26] : memref<32x48x128xi32, #tpu.memory_space<hbm>> -> memref<1x48x128xi32, #tpu.memory_space<hbm>>
      %dma_start3A_28 = tpu.memref_squeeze %dma_start3A_27 : memref<1x48x128xi32, #tpu.memory_space<hbm>> -> memref<48x128xi32, #tpu.memory_space<hbm>>
      tpu.enqueue_dma source(%arg12 : memref<48x128xi32, #tpu.memory_space<vmem>>) target(%dma_start3A_28 : memref<48x128xi32, #tpu.memory_space<hbm>>) target_semaphore(%run_scoped3A : memref<!tpu.dma_semaphore, #tpu.memory_space<semaphore_mem>>)
      %dma_wait3A = arith.constant 0 : i32
      %dma_wait3A_29 = arith.constant 0 : i32
      %dma_wait3A_30 = tpu.memref_slice %arg8[%add3A, %dma_wait3A, %dma_wait3A_29] : memref<32x48x128xi32, #tpu.memory_space<hbm>> -> memref<1x48x128xi32, #tpu.memory_space<hbm>>
      %dma_wait3A_31 = tpu.memref_squeeze %dma_wait3A_30 : memref<1x48x128xi32, #tpu.memory_space<hbm>> -> memref<48x128xi32, #tpu.memory_space<hbm>>
      %dma_wait3A_32 = arith.constant 0 : i32
      %dma_wait3A_33 = arith.constant 0 : i32
      %dma_wait3A_34 = tpu.memref_slice %arg8[%add3A, %dma_wait3A_32, %dma_wait3A_33] : memref<32x48x128xi32, #tpu.memory_space<hbm>> -> memref<1x48x128xi32, #tpu.memory_space<hbm>>
      %dma_wait3A_35 = tpu.memref_squeeze %dma_wait3A_34 : memref<1x48x128xi32, #tpu.memory_space<hbm>> -> memref<48x128xi32, #tpu.memory_space<hbm>>
      tpu.wait_dma2 semaphore(%run_scoped3A : memref<!tpu.dma_semaphore, #tpu.memory_space<semaphore_mem>>) src(%arg12 : memref<48x128xi32, #tpu.memory_space<vmem>>) dst(%dma_wait3A_35 : memref<48x128xi32, #tpu.memory_space<hbm>>)
      tpu.yield
    }) : () -> ()
    "tpu.region"() ({
      %run_scoped3A = tpu.sem_alloc : memref<!tpu.dma_semaphore, #tpu.memory_space<semaphore_mem>>
      %dma_start3A = arith.constant 0 : i32
      %dma_start3A_22 = arith.constant 0 : i32
      %dma_start3A_23 = tpu.memref_slice %arg9[%add3A, %dma_start3A, %dma_start3A_22] : memref<32x48x128xf32, #tpu.memory_space<hbm>> -> memref<1x48x128xf32, #tpu.memory_space<hbm>>
      %dma_start3A_24 = tpu.memref_squeeze %dma_start3A_23 : memref<1x48x128xf32, #tpu.memory_space<hbm>> -> memref<48x128xf32, #tpu.memory_space<hbm>>
      %dma_start3A_25 = arith.constant 0 : i32
      %dma_start3A_26 = arith.constant 0 : i32
      %dma_start3A_27 = tpu.memref_slice %arg9[%add3A, %dma_start3A_25, %dma_start3A_26] : memref<32x48x128xf32, #tpu.memory_space<hbm>> -> memref<1x48x128xf32, #tpu.memory_space<hbm>>
      %dma_start3A_28 = tpu.memref_squeeze %dma_start3A_27 : memref<1x48x128xf32, #tpu.memory_space<hbm>> -> memref<48x128xf32, #tpu.memory_space<hbm>>
      tpu.enqueue_dma source(%arg13 : memref<48x128xf32, #tpu.memory_space<vmem>>) target(%dma_start3A_28 : memref<48x128xf32, #tpu.memory_space<hbm>>) target_semaphore(%run_scoped3A : memref<!tpu.dma_semaphore, #tpu.memory_space<semaphore_mem>>)
      %dma_wait3A = arith.constant 0 : i32
      %dma_wait3A_29 = arith.constant 0 : i32
      %dma_wait3A_30 = tpu.memref_slice %arg9[%add3A, %dma_wait3A, %dma_wait3A_29] : memref<32x48x128xf32, #tpu.memory_space<hbm>> -> memref<1x48x128xf32, #tpu.memory_space<hbm>>
      %dma_wait3A_31 = tpu.memref_squeeze %dma_wait3A_30 : memref<1x48x128xf32, #tpu.memory_space<hbm>> -> memref<48x128xf32, #tpu.memory_space<hbm>>
      %dma_wait3A_32 = arith.constant 0 : i32
      %dma_wait3A_33 = arith.constant 0 : i32
      %dma_wait3A_34 = tpu.memref_slice %arg9[%add3A, %dma_wait3A_32, %dma_wait3A_33] : memref<32x48x128xf32, #tpu.memory_space<hbm>> -> memref<1x48x128xf32, #tpu.memory_space<hbm>>
      %dma_wait3A_35 = tpu.memref_squeeze %dma_wait3A_34 : memref<1x48x128xf32, #tpu.memory_space<hbm>> -> memref<48x128xf32, #tpu.memory_space<hbm>>
      tpu.wait_dma2 semaphore(%run_scoped3A : memref<!tpu.dma_semaphore, #tpu.memory_space<semaphore_mem>>) src(%arg13 : memref<48x128xf32, #tpu.memory_space<vmem>>) dst(%dma_wait3A_35 : memref<48x128xf32, #tpu.memory_space<hbm>>)
      tpu.yield
    }) : () -> ()
    return
  }
}

module attributes {stable_mosaic.version = 14 : i64} {
  func.func @_tc_body(%arg0: i32, %arg1: i32, %arg2: memref<1x1x6144xi32, #tpu.memory_space<vmem>>, %arg3: memref<1x1x6144xf32, #tpu.memory_space<vmem>>, %arg4: memref<1x1x1024xi32, #tpu.memory_space<vmem>>, %arg5: memref<128x100xf32, #tpu.memory_space<vmem>>, %arg6: memref<128x32xf32, #tpu.memory_space<vmem>>, %arg7: memref<6144x128xbf16, #tpu.memory_space<vmem>>, %arg8: memref<128x128xf32, #tpu.memory_space<vmem>>, %arg9: memref<128x1xf32, #tpu.memory_space<vmem>>, %arg10: memref<64x128xf32, #tpu.memory_space<vmem>>, %arg11: memref<64x1xf32, #tpu.memory_space<vmem>>, %arg12: memref<1x64xf32, #tpu.memory_space<vmem>>, %arg13: memref<1x1x128xf32, #tpu.memory_space<vmem>>, %arg14: memref<128x1024xf32, #tpu.memory_space<vmem>>, %arg15: memref<128x100xbf16, #tpu.memory_space<vmem>>, %arg16: memref<128x1024xf32, #tpu.memory_space<vmem>>) attributes {dimension_semantics = [#tpu.dimension_semantics<arbitrary>, #tpu.dimension_semantics<arbitrary>], iteration_bounds = array<i64: 4, 8>, scalar_prefetch = 0 : i64, scratch_operands = 3 : i64, tpu.core_type = #tpu.core_type<tc>, window_params = [{transform_indices = @transform_0, window_bounds = array<i64: 1, 1, 6144>}, {transform_indices = @transform_1, window_bounds = array<i64: 1, 1, 6144>}, {transform_indices = @transform_2, window_bounds = array<i64: 1, 1, 1024>}, {pipeline_mode = #tpu.pipeline_mode<synchronous>, transform_indices = @transform_3, window_bounds = array<i64: 128, 100>}, {pipeline_mode = #tpu.pipeline_mode<synchronous>, transform_indices = @transform_4, window_bounds = array<i64: 128, 32>}, {pipeline_mode = #tpu.pipeline_mode<synchronous>, transform_indices = @transform_5, window_bounds = array<i64: 6144, 128>}, {pipeline_mode = #tpu.pipeline_mode<synchronous>, transform_indices = @transform_6, window_bounds = array<i64: 128, 128>}, {pipeline_mode = #tpu.pipeline_mode<synchronous>, transform_indices = @transform_7, window_bounds = array<i64: 128, 1>}, {pipeline_mode = #tpu.pipeline_mode<synchronous>, transform_indices = @transform_8, window_bounds = array<i64: 64, 128>}, {pipeline_mode = #tpu.pipeline_mode<synchronous>, transform_indices = @transform_9, window_bounds = array<i64: 64, 1>}, {pipeline_mode = #tpu.pipeline_mode<synchronous>, transform_indices = @transform_10, window_bounds = array<i64: 1, 64>}, {transform_indices = @transform_11, window_bounds = array<i64: 1, 1, 128>}]} {
    %eq3A = arith.constant 0 : i32
    %eq3A_0 = arith.cmpi eq, %arg1, %eq3A : i32
    %convert_element_type3A = arith.extui %eq3A_0 : i1 to i32
    %cond3A = arith.constant 0 : i32
    %cond3A_1 = arith.cmpi ne, %convert_element_type3A, %cond3A : i32
    scf.if %cond3A_1 {
      %get3A_53 = arith.constant 0 : index
      %get3A_54 = arith.constant 0 : index
      %get3A_55 = arith.constant 0 : index
      %get3A_56 = vector.load %arg4[%get3A_53, %get3A_54, %get3A_55] : memref<1x1x1024xi32, #tpu.memory_space<vmem>>, vector<1x1x1024xi32>
      %get3A_57 = vector.shape_cast %get3A_56 : vector<1x1x1024xi32> to vector<1024xi32>
      %broadcast_in_dim3A = vector.shape_cast %get3A_57 : vector<1024xi32> to vector<1x1024xi32>
      %iota3A_58 = tpu.iota {dimensions = array<i32: 0>} : vector<100x1024xi32>
      %eq3A_59 = vector.broadcast %broadcast_in_dim3A : vector<1x1024xi32> to vector<100x1024xi32>
      %eq3A_60 = arith.cmpi eq, %eq3A_59, %iota3A_58 : vector<100x1024xi32>
      %convert_element_type3A_61 = arith.extui %eq3A_60 : vector<100x1024xi1> to vector<100x1024xi32>
      %convert_element_type3A_62 = arith.sitofp %convert_element_type3A_61 : vector<100x1024xi32> to vector<100x1024xf32>
      %get3A_63 = arith.constant 0 : index
      %get3A_64 = arith.constant 0 : index
      %get3A_65 = vector.load %arg5[%get3A_63, %get3A_64] : memref<128x100xf32, #tpu.memory_space<vmem>>, vector<128x100xf32>
      %dot_general3A_66 = arith.constant dense<0.000000e+00> : vector<128x1024xf32>
      %dot_general3A_67 = tpu.matmul %get3A_65, %convert_element_type3A_62, %dot_general3A_66 {dimension_numbers = #tpu.dot_dimension_numbers<[1], [0], [0], [1], [0, 0, 1, 1], [], []>, transpose_lhs_hint = false} : vector<128x100xf32>, vector<100x1024xf32>, vector<128x1024xf32> -> vector<128x1024xf32>
      %swap3A_68 = arith.constant 0 : index
      %swap3A_69 = arith.constant 0 : index
      %swap3A_70 = vector.load %arg14[%swap3A_68, %swap3A_69] : memref<128x1024xf32, #tpu.memory_space<vmem>>, vector<128x1024xf32>
      tpu.vector_store %arg14[%swap3A_68, %swap3A_69], %dot_general3A_67 {strides = array<i32>} : memref<128x1024xf32, #tpu.memory_space<vmem>>, vector<128x1024xf32>,
      %get3A_71 = arith.constant 0 : index
      %get3A_72 = arith.constant 0 : index
      %get3A_73 = vector.load %arg5[%get3A_71, %get3A_72] : memref<128x100xf32, #tpu.memory_space<vmem>>, vector<128x100xf32>
      %convert_element_type3A_74 = arith.truncf %get3A_73 : vector<128x100xf32> to vector<128x100xbf16>
      %swap3A_75 = arith.constant 0 : index
      %swap3A_76 = arith.constant 0 : index
      %swap3A_77 = vector.load %arg15[%swap3A_75, %swap3A_76] : memref<128x100xbf16, #tpu.memory_space<vmem>>, vector<128x100xbf16>
      tpu.vector_store %arg15[%swap3A_75, %swap3A_76], %convert_element_type3A_74 {strides = array<i32>} : memref<128x100xbf16, #tpu.memory_space<vmem>>, vector<128x100xbf16>,
    } else {
    }
    %get3A = arith.constant 0 : index
    %get3A_2 = arith.constant 0 : index
    %get3A_3 = arith.constant 0 : index
    %get3A_4 = vector.load %arg2[%get3A, %get3A_2, %get3A_3] : memref<1x1x6144xi32, #tpu.memory_space<vmem>>, vector<1x1x6144xi32>
    %get3A_5 = vector.shape_cast %get3A_4 : vector<1x1x6144xi32> to vector<1x6144xi32>
    %iota3A = tpu.iota {dimensions = array<i32: 0>} : vector<100x6144xi32>
    %eq3A_6 = vector.broadcast %get3A_5 : vector<1x6144xi32> to vector<100x6144xi32>
    %eq3A_7 = arith.cmpi eq, %eq3A_6, %iota3A : vector<100x6144xi32>
    %convert_element_type3A_8 = arith.extui %eq3A_7 : vector<100x6144xi1> to vector<100x6144xi32>
    %convert_element_type3A_9 = arith.sitofp %convert_element_type3A_8 : vector<100x6144xi32> to vector<100x6144xf32>
    %convert_element_type3A_10 = arith.truncf %convert_element_type3A_9 : vector<100x6144xf32> to vector<100x6144xbf16>
    %get3A_11 = arith.constant 0 : index
    %get3A_12 = arith.constant 0 : index
    %get3A_13 = vector.load %arg15[%get3A_11, %get3A_12] : memref<128x100xbf16, #tpu.memory_space<vmem>>, vector<128x100xbf16>
    %dot_general3A = arith.constant dense<0.000000e+00> : vector<128x6144xf32>
    %dot_general3A_14 = tpu.matmul %get3A_13, %convert_element_type3A_10, %dot_general3A {dimension_numbers = #tpu.dot_dimension_numbers<[1], [0], [0], [1], [0, 0, 1, 1], [], []>, transpose_lhs_hint = false} : vector<128x100xbf16>, vector<100x6144xbf16>, vector<128x6144xf32> -> vector<128x6144xf32>
    %get3A_15 = arith.constant 0 : index
    %get3A_16 = arith.constant 0 : index
    %get3A_17 = arith.constant 0 : index
    %get3A_18 = vector.load %arg3[%get3A_15, %get3A_16, %get3A_17] : memref<1x1x6144xf32, #tpu.memory_space<vmem>>, vector<1x1x6144xf32>
    %get3A_19 = vector.shape_cast %get3A_18 : vector<1x1x6144xf32> to vector<1x6144xf32>
    %add3A = arith.constant 9.99999993E-9 : f32
    %add3A_20 = vector.broadcast %add3A : f32 to vector<1x6144xf32>
    %add3A_21 = arith.addf %get3A_19, %add3A_20 : vector<1x6144xf32>
    %sqrt3A = math.sqrt %add3A_21 : vector<1x6144xf32>
    %iota3A_22 = tpu.iota {dimensions = array<i32: 0>} : vector<32x1xi32>
    %convert_element_type3A_23 = arith.sitofp %iota3A_22 : vector<32x1xi32> to vector<32x1xf32>
    %mul3A = arith.constant 0.161290318 : f32
    %mul3A_24 = vector.broadcast %mul3A : f32 to vector<32x1xf32>
    %mul3A_25 = arith.mulf %convert_element_type3A_23, %mul3A_24 : vector<32x1xf32>
    %sub3A = vector.broadcast %sqrt3A : vector<1x6144xf32> to vector<32x6144xf32>
    %sub3A_26 = vector.broadcast %mul3A_25 : vector<32x1xf32> to vector<32x6144xf32>
    %sub3A_27 = arith.subf %sub3A, %sub3A_26 : vector<32x6144xf32>
    %mul3A_28 = arith.constant -1.000000e+01 : f32
    %mul3A_29 = vector.broadcast %mul3A_28 : f32 to vector<32x6144xf32>
    %mul3A_30 = arith.mulf %mul3A_29, %sub3A_27 : vector<32x6144xf32>
    %mul3A_31 = arith.mulf %mul3A_30, %sub3A_27 : vector<32x6144xf32>
    %exp3A = math.exp %mul3A_31 : vector<32x6144xf32>
    %get3A_32 = arith.constant 0 : index
    %get3A_33 = arith.constant 0 : index
    %get3A_34 = vector.load %arg6[%get3A_32, %get3A_33] : memref<128x32xf32, #tpu.memory_space<vmem>>, vector<128x32xf32>
    %dot_general3A_35 = arith.constant dense<0.000000e+00> : vector<128x6144xf32>
    %dot_general3A_36 = tpu.matmul %get3A_34, %exp3A, %dot_general3A_35 {dimension_numbers = #tpu.dot_dimension_numbers<[1], [0], [0], [1], [0, 0, 1, 1], [], []>, transpose_lhs_hint = false} : vector<128x32xf32>, vector<32x6144xf32>, vector<128x6144xf32> -> vector<128x6144xf32>
    %mul3A_37 = arith.mulf %dot_general3A_14, %dot_general3A_36 : vector<128x6144xf32>
    %convert_element_type3A_38 = arith.truncf %mul3A_37 : vector<128x6144xf32> to vector<128x6144xbf16>
    %get3A_39 = arith.constant 0 : index
    %get3A_40 = arith.constant 0 : index
    %get3A_41 = vector.load %arg7[%get3A_39, %get3A_40] : memref<6144x128xbf16, #tpu.memory_space<vmem>>, vector<6144x128xbf16>
    %dot_general3A_42 = arith.constant dense<0.000000e+00> : vector<128x128xf32>
    %dot_general3A_43 = tpu.matmul %convert_element_type3A_38, %get3A_41, %dot_general3A_42 {dimension_numbers = #tpu.dot_dimension_numbers<[1], [0], [0], [1], [0, 0, 1, 1], [], []>, transpose_lhs_hint = false} : vector<128x6144xbf16>, vector<6144x128xbf16>, vector<128x128xf32> -> vector<128x128xf32>
    %mul3A_44 = arith.constant 128 : i32
    %mul3A_45 = arith.muli %arg1, %mul3A_44 : i32
    %swap3A = arith.constant 0 : index
    %swap3A_46 = arith.index_cast %mul3A_45 : i32 to index
    %swap3A_47 = vector.load %arg16[%swap3A, %swap3A_46] : memref<128x1024xf32, #tpu.memory_space<vmem>>, vector<128x128xf32>
    tpu.vector_store %arg16[%swap3A, %swap3A_46], %dot_general3A_43 {strides = array<i32>} : memref<128x1024xf32, #tpu.memory_space<vmem>>, vector<128x128xf32>,
    %eq3A_48 = arith.constant 7 : i32
    %eq3A_49 = arith.cmpi eq, %arg1, %eq3A_48 : i32
    %convert_element_type3A_50 = arith.extui %eq3A_49 : i1 to i32
    %cond3A_51 = arith.constant 0 : i32
    %cond3A_52 = arith.cmpi ne, %convert_element_type3A_50, %cond3A_51 : i32
    scf.if %cond3A_52 {
      %get3A_53 = arith.constant 0 : index
      %get3A_54 = arith.constant 0 : index
      %get3A_55 = vector.load %arg14[%get3A_53, %get3A_54] : memref<128x1024xf32, #tpu.memory_space<vmem>>, vector<128x1024xf32>
      %get3A_56 = arith.constant 0 : index
      %get3A_57 = arith.constant 0 : index
      %get3A_58 = vector.load %arg8[%get3A_56, %get3A_57] : memref<128x128xf32, #tpu.memory_space<vmem>>, vector<128x128xf32>
      %get3A_59 = arith.constant 0 : index
      %get3A_60 = arith.constant 0 : index
      %get3A_61 = vector.load %arg16[%get3A_59, %get3A_60] : memref<128x1024xf32, #tpu.memory_space<vmem>>, vector<128x1024xf32>
      %dot_general3A_62 = arith.constant dense<0.000000e+00> : vector<128x1024xf32>
      %dot_general3A_63 = tpu.matmul %get3A_58, %get3A_61, %dot_general3A_62 {dimension_numbers = #tpu.dot_dimension_numbers<[1], [0], [0], [1], [0, 0, 1, 1], [], []>, transpose_lhs_hint = false} : vector<128x128xf32>, vector<128x1024xf32>, vector<128x1024xf32> -> vector<128x1024xf32>
      %get3A_64 = arith.constant 0 : index
      %get3A_65 = arith.constant 0 : index
      %get3A_66 = vector.load %arg9[%get3A_64, %get3A_65] : memref<128x1xf32, #tpu.memory_space<vmem>>, vector<128x1xf32>
      %add3A_67 = vector.broadcast %get3A_66 : vector<128x1xf32> to vector<128x1024xf32>
      %add3A_68 = arith.addf %dot_general3A_63, %add3A_67 : vector<128x1024xf32>
      %tanh3A = math.tanh %add3A_68 : vector<128x1024xf32>
      %add3A_69 = arith.addf %get3A_55, %tanh3A : vector<128x1024xf32>
      %get3A_70 = arith.constant 0 : index
      %get3A_71 = arith.constant 0 : index
      %get3A_72 = vector.load %arg10[%get3A_70, %get3A_71] : memref<64x128xf32, #tpu.memory_space<vmem>>, vector<64x128xf32>
      %dot_general3A_73 = arith.constant dense<0.000000e+00> : vector<64x1024xf32>
      %dot_general3A_74 = tpu.matmul %get3A_72, %add3A_69, %dot_general3A_73 {dimension_numbers = #tpu.dot_dimension_numbers<[1], [0], [0], [1], [0, 0, 1, 1], [], []>, transpose_lhs_hint = false} : vector<64x128xf32>, vector<128x1024xf32>, vector<64x1024xf32> -> vector<64x1024xf32>
      %get3A_75 = arith.constant 0 : index
      %get3A_76 = arith.constant 0 : index
      %get3A_77 = vector.load %arg11[%get3A_75, %get3A_76] : memref<64x1xf32, #tpu.memory_space<vmem>>, vector<64x1xf32>
      %add3A_78 = vector.broadcast %get3A_77 : vector<64x1xf32> to vector<64x1024xf32>
      %add3A_79 = arith.addf %dot_general3A_74, %add3A_78 : vector<64x1024xf32>
      %tanh3A_80 = math.tanh %add3A_79 : vector<64x1024xf32>
      %get3A_81 = arith.constant 0 : index
      %get3A_82 = arith.constant 0 : index
      %get3A_83 = vector.load %arg12[%get3A_81, %get3A_82] : memref<1x64xf32, #tpu.memory_space<vmem>>, vector<1x64xf32>
      %dot_general3A_84 = arith.constant dense<0.000000e+00> : vector<1x1024xf32>
      %dot_general3A_85 = tpu.matmul %get3A_83, %tanh3A_80, %dot_general3A_84 {dimension_numbers = #tpu.dot_dimension_numbers<[1], [0], [0], [1], [0, 0, 1, 1], [], []>, transpose_lhs_hint = false} : vector<1x64xf32>, vector<64x1024xf32>, vector<1x1024xf32> -> vector<1x1024xf32>
      %reduce_sum3A = vector.shape_cast %dot_general3A_85 : vector<1x1024xf32> to vector<1x1x1024xf32>
      %reduce_sum3A_86 = arith.constant dense<0.000000e+00> : vector<1xf32>
      %reduce_sum3A_87 = vector.multi_reduction <add>, %reduce_sum3A, %reduce_sum3A_86 [1, 2] : vector<1x1x1024xf32> to vector<1xf32>
      %reduce_sum3A_88 = vector.shape_cast %reduce_sum3A_87 : vector<1xf32> to vector<1x1x1xf32>
      %reduce_sum3A_89 = vector.extract %reduce_sum3A_88[0, 0, 0] : f32 from vector<1x1x1xf32>
      %broadcast_in_dim3A = vector.broadcast %reduce_sum3A_89 : f32 to vector<1x1x128xf32>
      %swap3A_90 = arith.constant 0 : index
      %swap3A_91 = arith.constant 0 : index
      %swap3A_92 = arith.constant 0 : index
      %swap3A_93 = vector.load %arg13[%swap3A_90, %swap3A_91, %swap3A_92] : memref<1x1x128xf32, #tpu.memory_space<vmem>>, vector<1x1x128xf32>
      tpu.vector_store %arg13[%swap3A_90, %swap3A_91, %swap3A_92], %broadcast_in_dim3A {strides = array<i32>} : memref<1x1x128xf32, #tpu.memory_space<vmem>>, vector<1x1x128xf32>,
    } else {
    }
    return
  }
  func.func @transform_0(%arg0: i32, %arg1: i32) -> (i32, i32, i32) {
    %mul3A = arith.constant 8 : i32
    %mul3A_0 = arith.muli %arg0, %mul3A : i32
    %add3A = arith.addi %mul3A_0, %arg1 : i32
    %c0_i32 = arith.constant 0 : i32
    %c0_i32_1 = arith.constant 0 : i32
    %c0_i32_2 = arith.constant 0 : i32
    return %add3A, %c0_i32, %c0_i32_1 : i32, i32, i32
  }
  func.func @transform_1(%arg0: i32, %arg1: i32) -> (i32, i32, i32) {
    %mul3A = arith.constant 8 : i32
    %mul3A_0 = arith.muli %arg0, %mul3A : i32
    %add3A = arith.addi %mul3A_0, %arg1 : i32
    %c0_i32 = arith.constant 0 : i32
    %c0_i32_1 = arith.constant 0 : i32
    %c0_i32_2 = arith.constant 0 : i32
    return %add3A, %c0_i32, %c0_i32_1 : i32, i32, i32
  }
  func.func @transform_2(%arg0: i32, %arg1: i32) -> (i32, i32, i32) {
    %c0_i32 = arith.constant 0 : i32
    %c0_i32_0 = arith.constant 0 : i32
    %c0_i32_1 = arith.constant 0 : i32
    return %arg0, %c0_i32, %c0_i32_0 : i32, i32, i32
  }
  func.func @transform_3(%arg0: i32, %arg1: i32) -> (i32, i32) {
    %c0_i32 = arith.constant 0 : i32
    %c0_i32_0 = arith.constant 0 : i32
    %c0_i32_1 = arith.constant 0 : i32
    return %c0_i32, %c0_i32_0 : i32, i32
  }
  func.func @transform_4(%arg0: i32, %arg1: i32) -> (i32, i32) {
    %c0_i32 = arith.constant 0 : i32
    %c0_i32_0 = arith.constant 0 : i32
    %c0_i32_1 = arith.constant 0 : i32
    return %c0_i32, %c0_i32_0 : i32, i32
  }
  func.func @transform_5(%arg0: i32, %arg1: i32) -> (i32, i32) {
    %c0_i32 = arith.constant 0 : i32
    %c0_i32_0 = arith.constant 0 : i32
    %c0_i32_1 = arith.constant 0 : i32
    return %c0_i32, %c0_i32_0 : i32, i32
  }
  func.func @transform_6(%arg0: i32, %arg1: i32) -> (i32, i32) {
    %c0_i32 = arith.constant 0 : i32
    %c0_i32_0 = arith.constant 0 : i32
    %c0_i32_1 = arith.constant 0 : i32
    return %c0_i32, %c0_i32_0 : i32, i32
  }
  func.func @transform_7(%arg0: i32, %arg1: i32) -> (i32, i32) {
    %c0_i32 = arith.constant 0 : i32
    %c0_i32_0 = arith.constant 0 : i32
    %c0_i32_1 = arith.constant 0 : i32
    return %c0_i32, %c0_i32_0 : i32, i32
  }
  func.func @transform_8(%arg0: i32, %arg1: i32) -> (i32, i32) {
    %c0_i32 = arith.constant 0 : i32
    %c0_i32_0 = arith.constant 0 : i32
    %c0_i32_1 = arith.constant 0 : i32
    return %c0_i32, %c0_i32_0 : i32, i32
  }
  func.func @transform_9(%arg0: i32, %arg1: i32) -> (i32, i32) {
    %c0_i32 = arith.constant 0 : i32
    %c0_i32_0 = arith.constant 0 : i32
    %c0_i32_1 = arith.constant 0 : i32
    return %c0_i32, %c0_i32_0 : i32, i32
  }
  func.func @transform_10(%arg0: i32, %arg1: i32) -> (i32, i32) {
    %c0_i32 = arith.constant 0 : i32
    %c0_i32_0 = arith.constant 0 : i32
    %c0_i32_1 = arith.constant 0 : i32
    return %c0_i32, %c0_i32_0 : i32, i32
  }
  func.func @transform_11(%arg0: i32, %arg1: i32) -> (i32, i32, i32) {
    %c0_i32 = arith.constant 0 : i32
    %c0_i32_0 = arith.constant 0 : i32
    %c0_i32_1 = arith.constant 0 : i32
    return %arg0, %c0_i32, %c0_i32_0 : i32, i32, i32
  }
}

</mosaic_0001>

<sc_bundles>
// kernel: kernel.6.cloned.1.call-start
scs
__scs_entry_jumppad:
0x0: {  	(pc) =	sbr.rel $0x88, $3  }
0x1: {  	(tag) =	ssettag $0x0;
	lr =	simm.s32 $0x1  }
0x2: {  	[smem:$0x3F96] =	sst lr;
	_ =	strace $0xD0000000  }
0x3: {  	_ = 	snop  }
0x4: {  	_ = 	snop  }
0x5: {  	_ = 	snop  }
0x6: {  	_ = 	snop  }
0x7: {  	_ = 	snop  }
__scs_overlays_trampoline_lowered:
0x8: {  	[smem:$0x3FA5] =	sst s0  }
0x9: {  	[smem:$0x3FA6] =	sst s1  }
0xa: {  	[smem:$0x3FA7] =	sst s2  }
0xb: {  	[smem:$0x3FA8] =	sst s3  }
0xc: {  	[smem:$0x3FA9] =	sst s4  }
0xd: {  	[smem:$0x3FAA] =	sst s5  }
0xe: {  	[smem:$0x3FAB] =	sst s6  }
0xf: {  	[smem:$0x3FAC] =	sst s7  }
0x10: {  	[smem:$0x3FAD] =	sst s8  }
0x11: {  	[smem:$0x3FAE] =	sst s9;
	s0 =	simm.s32 @!p0 $0x0  }
0x12: {  	s1 =	sld [smem:$0x3F94];
	s0 =	simm.s32 @p0 $0x1  }
0x13: {  	[smem:$0x3FAF] =	sst s0;
	s0 =	simm.s32 @!p1 $0x0  }
0x14: {  	s2 =	sld [smem:$0x3F93];
	s0 =	simm.s32 @p1 $0x1  }
0x15: {  	[smem:$0x3FB0] =	sst s0;
	s0 =	simm.s32 @!p2 $0x0  }
0x16: {  	s3 =	sld [smem:$0x3FDB];
	s0 =	simm.s32 @p2 $0x1  }
0x17: {  	s4 =	simm.s32 $0x1BF5;
	[smem:$0x3FB2] =	sst s0  }
0x18: {  	s0 =	sld [smem:$0x3F95];
	_ =	swait.ge [sflag:s4], $0x0  }
0x19: {  	s7 =	sld [smem:$0x3F96]  }
0x1a: {  	s8 =	sadd.s32 $0xFFFFE003, lr  }
0x1b: {  	s9 =	sadd.s32 $0xFFFFFEF7, lr;
	s5 =	simm.s32 $0xFFFFFFFF;
	p2 =	slt.u32 s8, $0xFFFFF086  }
0x1c: {  	p1 =	slt.u32 s9, $0xF7A;
	s5 =	simm.s32 @!p2 $0x0  }
0x1d: {  	s5 =	simm.s32 @p1 $0x1;
	p0 =	seq.s32 s7, s2  }
0x1e: {  	s7 =	smul.u32 @!p0 $0xF7A, s2;
	p2 =	seq.s32 @!p0 s5, $0x0  }
0x1f: {  	s9 =	smul.u32 $0xF7A, s1;
	s8 =	simm.s32 @!p0 $0x1BF5;
	p2 =	por !p2, p0  }
0x20: {  	[sflag:s8] =	ssyncset.s32 @!p0 $0xFFFFF086;
	s6 =	sadd.s32 @!p0 s3, s7;
	s7 =	simm.s32 @!p0 $0x108  }
0x21: {  	s3 =	sadd.s32 s3, s9;
	s6 =	sadd.s32 @!p0 $0x88, s6;
	s7 =	simm.s32 @p2 $0x1082  }
0x22: {  	[simem:s7], [sflag:s8] =	dma.local @!p0 [hbm:s6], $0xF7A  }
0x23: {  	s9 =	sor.u32 $0xD0000000, s2;
	s6 =	simm.s32 $0x108;
	_ =	swait.ge @!p0 [sflag:s8], $0x0  }
0x24: {  	s3 =	sadd.s32 $0x88, s3;
	s6 =	simm.s32 @!p1 $0x1082;
	[sflag:s4] =	ssyncset.s32 $0xFFFFF086  }
0x25: {  	[simem:s6], [sflag:s4] =	dma.local [hbm:s3], $0xF7A  }
0x26: {  	[smem:$0x3F96] =	sst s1;
	(tag) =	ssettag s2;
	_ =	strace s9  }
0x27: {  	s1 =	sld [smem:$0x3FA6]  }
0x28: {  	s2 =	sld [smem:$0x3FA7]  }
0x29: {  	s4 =	sld [smem:$0x3FA9]  }
0x2a: {  	p0 =	seq.s32 s5, $0x0;
	s5 =	sld [smem:$0x3FAA]  }
0x2b: {  	s6 =	sld [smem:$0x3FAB]  }
0x2c: {  	s7 =	sld [smem:$0x3FAC]  }
0x2d: {  	s3 =	simm.s32 $0x108;
	s8 =	sld [smem:$0x3FAD]  }
0x2e: {  	s3 =	simm.s32 @!p0 $0x1082;
	s9 =	sld [smem:$0x3FAE]  }
0x2f: {  	lr =	sadd.s32 s0, s3;
	s0 =	sld [smem:$0x3FA5]  }
0x30: {  	s3 =	sld [smem:$0x3FA8]  }
0x31: {  	[smem:$0x3FB1] =	sst s10  }
0x32: {  	s10 =	sld [smem:$0x3FAF];
	_ =	sdelay $0x3  }
0x33: {  	p0 =	seq.s32 s10, $0x1;
	s10 =	sld [smem:$0x3FB1];
	_ =	sdelay $0x3  }
0x34: {  	[smem:$0x3FB1] =	sst s10  }
0x35: {  	s10 =	sld [smem:$0x3FB0];
	_ =	sdelay $0x3  }
0x36: {  	p1 =	seq.s32 s10, $0x1;
	s10 =	sld [smem:$0x3FB1];
	_ =	sdelay $0x3  }
0x37: {  	[smem:$0x3FB1] =	sst s10  }
0x38: {  	s10 =	sld [smem:$0x3FB2]  }
0x39: {  	_ = 	snop;
	(pc) =	sbr.ind lr, $3  }
0x3a: {  	_ = 	snop  }
0x3b: {  	_ = 	snop  }
0x3c: {  	p2 =	seq.s32 s10, $0x1;
	s10 =	sld [smem:$0x3FB1]  }
0x3d: {  	_ =	shalt  }
0x3e: {  	_ =	shalt  }
0x3f: {  	_ =	shalt  }
0x40: {  	_ =	shalt  }
0x41: {  	_ =	shalt  }
0x42: {  	_ =	shalt  }
0x43: {  	_ =	shalt  }
0x44: {  	_ =	shalt  }
0x45: {  	_ =	shalt  }
0x46: {  	_ =	shalt  }
0x47: {  	_ =	shalt  }
0x48: {  	_ =	shalt  }
0x49: {  	_ =	shalt  }
0x4a: {  	_ =	shalt  }
0x4b: {  	_ =	shalt  }
0x4c: {  	_ =	shalt  }
0x4d: {  	_ =	shalt  }
0x4e: {  	_ =	shalt  }
0x4f: {  	_ =	shalt  }
0x50: {  	_ =	shalt  }
0x51: {  	_ =	shalt  }
0x52: {  	_ =	shalt  }
0x53: {  	_ =	shalt  }
0x54: {  	_ =	shalt  }
0x55: {  	_ =	shalt  }
0x56: {  	_ =	shalt  }
0x57: {  	_ =	shalt  }
0x58: {  	_ =	shalt  }
0x59: {  	_ =	shalt  }
0x5a: {  	_ =	shalt  }
0x5b: {  	_ =	shalt  }
0x5c: {  	_ =	shalt  }
0x5d: {  	_ =	shalt  }
0x5e: {  	_ =	shalt  }
0x5f: {  	_ =	shalt  }
0x60: {  	_ =	shalt  }
0x61: {  	_ =	shalt  }
0x62: {  	_ =	shalt  }
0x63: {  	_ =	shalt  }
0x64: {  	_ =	shalt  }
0x65: {  	_ =	shalt  }
0x66: {  	_ =	shalt  }
0x67: {  	_ =	shalt  }
0x68: {  	_ =	shalt  }
0x69: {  	_ =	shalt  }
0x6a: {  	_ =	shalt  }
0x6b: {  	_ =	shalt  }
0x6c: {  	_ =	shalt  }
0x6d: {  	_ =	shalt  }
0x6e: {  	_ =	shalt  }
0x6f: {  	_ =	shalt  }
0x70: {  	_ =	shalt  }
0x71: {  	_ =	shalt  }
0x72: {  	_ =	shalt  }
0x73: {  	_ =	shalt  }
0x74: {  	_ =	shalt  }
0x75: {  	_ =	shalt  }
0x76: {  	_ =	shalt  }
0x77: {  	_ =	shalt  }
0x78: {  	_ =	shalt  }
0x79: {  	_ =	shalt  }
0x7a: {  	_ =	shalt  }
0x7b: {  	_ =	shalt  }
0x7c: {  	_ =	shalt  }
0x7d: {  	_ =	shalt  }
0x7e: {  	_ =	shalt  }
0x7f: {  	_ =	shalt  }
0x80: {  	_ =	shalt  }
0x81: {  	_ =	shalt  }
0x82: {  	_ =	shalt  }
0x83: {  	_ =	shalt  }
0x84: {  	_ =	shalt  }
0x85: {  	_ =	shalt  }
0x86: {  	_ =	shalt  }
0x87: {  	_ =	shalt  }
.Lfunc_end0:
.L_simem_size_0:
called_computation_lowered:
.L_overlay_start_0:
0x88: {  	s2 =	sld [smem:$0x3FD9]  }
0x89: {  	s3 =	sld [smem:$0x3FFE];
	_ =	sdelay $0x1  }
0x8a: {  	s1 =	srdreg.scid  }
0x8b: {  	s0 =	sand.u32 $0x1, s1  }
0x8c: {  	s17 =	sshll.u32 s0, $0xA;
	s2 =	sadd.s32 s3, s2  }
0x8d: {  	s2 =	sadd.s32 s2, s17  }
0x8e: {  	[smem:$0x3FBD] =	sst s2  }
0x8f: {  	_ = 	snop  }
0x90: {  	(tm) =	ssettm $0x1  }
0x91: {  	s18 =	sld [smem:$0x3FFB];
	_ =	sdelay $0x3  }
0x92: {  	_ =	strace s18  }
0x93: {  	s2 =	sld [smem:$0x3FFC];
	_ =	sdelay $0x3  }
0x94: {  	_ =	strace s2  }
0x95: {  	s2 =	sld [smem:$0x3FFD];
	_ =	sdelay $0x3  }
0x96: {  	_ =	strace s2  }
0x97: {  	_ =	strace $0x8FFFFFFF  }
0x98: {  	s19 =	sld [smem:$0x3FDB];
	_ =	sdelay $0x1  }
0x99: {  	s20 =	simm.s32 $_scs_section_size  }
0x9a: {  	s4 =	simm.s32 $_size__tile_overlayer_lowered;
	s5 =	simm.s32 $_tile_overlayer_lowered  }
0x9b: {  	s6 =	simm.s32 $0x1BFF;
	s21 =	sshll.u32 s5, $0x1;
	s3 =	sadd.s32 s20, s19  }
0x9c: {  	s22 =	simm.s32 $0x0;
	s4 =	sshll.u32 s4, $0x1;
	s5 =	sadd.s32 s21, s3  }
0x9d: {  	[timem:s22], [sflag:s6] =	dma.local [hbm:s5], s4  }
0x9e: {  	_ =	swait.ge [sflag:s6], s4  }
0x9f: {  	s4 =	ssub.s32 $0x0, s4;
	[sflag:s6] =	ssyncset.done $0x0  }
0xa0: {  	[sflag:s6] =	ssyncadd.s32 s4;
	_ =	sdelay $0x1  }
0xa1: {  	s23 =	simm.s32 $0x1B8B  }
0xa2: {  	_ =	swait.ge [sflag:s23], $0x1  }
0xa3: {  	[sflag:s23] =	ssyncset.done $0x0  }
0xa4: {  	[sflag:s23] =	ssyncadd.s32 $0xFFFFFFFF  }
0xa5: {  	s4 =	sld [smem:$0x0]  }
0xa6: {  	s5 =	sand.u32 $0xFFFFFFFE, s1  }
0xa7: {  	p0 =	sne.s32 s1, s5  }
0xa8: {  	s5 =	sshll.u32 @p0 s5, $0xE  }
0xa9: {  	s5 =	sadd.s32 @p0 $0x11B8D, s5;
	s6 =	sshll.u32 @p0 s4, $0x11  }
0xaa: {  	s5 =	sor.u32 @p0 s6, s5  }
0xab: {  	[sflag:s5] =	ssyncadd.remote.s32 @p0 $0x1;
	_ =	sdelay $0x1  }
0xac: {  	s5 =	simm.s32 @p0 $0x1B8D  }
0xad: {  	_ =	swait.eq @p0 [sflag:s5], $0x1  }
0xae: {  	[sflag:s5] =	ssyncadd.s32 @p0 $0xFFFFFFFF  }
0xaf: {  	s6 =	sshll.u32 @!p0 s1, $0xE  }
0xb0: {  	s6 =	sor.u32 @!p0 $0x4000, s6;
	s5 =	simm.s32 @!p0 $0x1B8D  }
0xb1: {  	s4 =	sshll.u32 @!p0 s4, $0x11;
	s6 =	sadd.s32 @!p0 $0x11B8D, s6;
	_ =	swait.eq @!p0 [sflag:s5], $0x1  }
0xb2: {  	s4 =	sor.u32 @!p0 s4, s6;
	[sflag:s5] =	ssyncadd.s32 @!p0 $0xFFFFFFFF  }
0xb3: {  	s25 =	simm.s32 $0x1B8E;
	s24 =	sld [smem:$0x3FFE];
	[sflag:s4] =	ssyncadd.remote.s32 @!p0 $0x1  }
0xb4: {  	s26 =	simm.s32 $execute0_lowered;
	[smem:$0x3FD2] =	sst s25  }
0xb5: {  	s5 =	sshll.u32 s26, $0x1;
	_ =	strace $0x80000049;
	[dreg:$0x1] =	wrdreg $0xFFFFFFFF  }
0xb6: {  	s28 =	simm.s32 $_size_execute0_lowered;
	s3 =	sadd.s32 s3, s5;
	[dreg:$0x0] =	wrdreg $0x0  }
0xb7: {  	s5 =	sshll.u32 s28, $0x1;
	[dreg:$0x2] =	wrdreg s3  }
0xb8: {  	[dreg:$0x3] =	wrdreg s5  }
0xb9: {  	[dreg:$0x4] =	wrdreg $0xC0  }
0xba: {  	_ =	task [dreg:s22], $0x5FFFF  }
0xbb: {  	[dreg:$0x1] =	wrdreg $0xFFFFFFFF  }
0xbc: {  	[dreg:$0x0] =	wrdreg $0x60  }
0xbd: {  	[dreg:$0x2] =	wrdreg s24  }
0xbe: {  	[dreg:$0x3] =	wrdreg $0x9  }
0xbf: {  	_ =	task.clear_ibuf [dreg:s22], $0x4FFFF;
	_ =	strace $0x90000049  }
0xc0: {  	s29 =	simm.s32 $0x9;
	_ =	strace $0x8000004B  }
0xc1: {  	_ =	swait.ge [sflag:s29], $0x1  }
0xc2: {  	[sflag:s29] =	ssyncadd.s32 $0xFFFFFFFF  }
0xc3: {  	_ =	strace $0x9000004B  }
0xc4: {  	_ =	sfence  }
0xc5: {  	s30 =	sld [smem:$0x0];
	_ =	sdelay $0x2  }
0xc6: {  	s31 =	sshll.u32 s1, $0xD;
	s1 =	sshrl.u32 s1, $0x2  }
0xc7: {  	s4 =	sand.u32 $0x4000, s31;
	s1 =	sadd.s32 s1, s30  }
0xc8: {  	s0 =	sor.u32 s4, s0;
	s1 =	sshll.u32 s1, $0x11  }
0xc9: {  	s0 =	sor.u32 s1, s0  }
0xca: {  	s0 =	sadd.s32 $0x8F2B, s0  }
0xcb: {  	[sflag:s0] =	ssyncadd.remote.s32 $0x1  }
0xcc: {  	_ =	sfence.sel $0xFFFF  }
0xcd: {  	[dreg:$0x0] =	wrdreg $0xFFFFFFFF;
	(pc) =	sbr.abs _section_cstart, $3  }
0xce: {  	[dreg:$0x1] =	wrdreg $0xFFFFFFFF  }
0xcf: {  	_ =	task.clear_ibuf [dreg:s22], $0x2FFFF;
	_ =	strace $0x9FFFFFFF  }
0xd0: {  	(tm) =	ssettm $0x7FFFFFFF  }
0xd1: {  	_ =	shalt  }
tec
execute0_lowered:
.L_overlay_start_1:
0x0: {  	(tag) =	ssettag $0x1  }
0x1: {  	s0 =	stileid.u32;
	s1 =	srdreg.scid  }
0x2: {  	s3 =	rddreg [dreg:$0x0];
	s2 =	simm.s32 $0x0;
	s12 =	simm.s32 $0x1  }
0x3: {  	s13 =	simm.s32 $0x1800;
	s14 =	simm.s32 $0x80;
	s15 =	simm.s32 $0x200  }
0x4: {  	s16 =	simm.s32 $0x6000;
	s17 =	simm.s32 $0x6400;
	s18 =	simm.s32 $0x6800  }
0x5: {  	s19 =	simm.s32 $0x6C00;
	s20 =	simm.s32 $0x3000;
	s21 =	simm.s32 $0x4800  }
0x6: {  	s22 =	simm.s32 $0x0;
	s4 =	sand.u32 $0x1, s1;
	s1 =	rddreg [dreg:$0x1]  }
0x7: {  	s5 =	sshll.u32 s0, $0x1;
	[smem:$0x7FF] =	sst s2;
	s6 =	sshll.u32 s0, $0x2  }
0x8: {  	s5 =	sor.u32 s4, s5;
	s6 =	sand.u32 $0x30, s6;
	s4 =	ssub.s32 $0x2, s4  }
0x9: {  	s5 =	smul.u32 $0x300, s5;
	s8 =	sadd.s32 s6, s3;
	s31 =	sshrl.u32 s4, $0x1  }
0xa: {  	_ =	strace $0x8000004A;
	s11 =	ssub.s32 s4, s31;
	s6 =	sadd.s32 $0x28400, s8  }
0xb: {  	s7 =	sadd.s32 $0x28200, s8;
	s10 =	sadd.s32 s5, s3;
	s5 =	sadd.s32 $0x9800, s8  }
0xc: {  	s8 =	sadd.s32 $0x28000, s8;
	s11 =	smax.u32 s11, $0x1;
	s3 =	sadd.s32 $0x22000, s10  }
0xd: {  	s4 =	sadd.s32 $0xA000, s10;
	s9 =	sadd.s32 $0x28600, s10;
	s10 =	sadd.s32 $0x2E600, s10  }
.LBB2_1:
0xe: {  	[tilespmem:s2], [sflag:$0x1] =	stream.linear.gather [hbm4b:s3+s2], $0x1800, $0x38;
	[tilespmem:$0x7000] =	vst v63  }
0xf: {  	_ =	swait.ge [sflag:s12], $0x1800  }
0x10: {  	[sflag:s12] =	ssyncset.done $0x0  }
0x11: {  	[sflag:s12] =	ssyncadd.s32 $0xFFFFE800  }
0x12: {  	[tilespmem:s13], [sflag:$0x1] =	stream.linear.gather [hbm4b:s4+s2], $0x1800, $0x38;
	[tilespmem:$0x7000] =	vst v63  }
0x13: {  	_ =	swait.ge [sflag:s12], $0x1800  }
0x14: {  	[sflag:s12] =	ssyncset.done $0x0  }
0x15: {  	[sflag:s12] =	ssyncadd.s32 $0xFFFFE800  }
0x16: {  	[tilespmem:s16], [sflag:$0x1] =	stream.strided.gather [hbm4b:s5+s14], $0x400, s15, s14, $0x38;
	[tilespmem:$0x7000] =	vst v63  }
0x17: {  	_ =	swait.ge [sflag:s12], $0x400  }
0x18: {  	[sflag:s12] =	ssyncset.done $0x0  }
0x19: {  	[sflag:s12] =	ssyncadd.s32 $0xFFFFFC00  }
0x1a: {  	[tilespmem:s17], [sflag:$0x1] =	stream.strided.gather [hbm4b:s6+s14], $0x400, s15, s14, $0x38;
	[tilespmem:$0x7000] =	vst v63  }
0x1b: {  	_ =	swait.ge [sflag:s12], $0x400  }
0x1c: {  	[sflag:s12] =	ssyncset.done $0x0  }
0x1d: {  	[sflag:s12] =	ssyncadd.s32 $0xFFFFFC00  }
0x1e: {  	[tilespmem:s18], [sflag:$0x1] =	stream.strided.gather [hbm4b:s7+s14], $0x400, s15, s14, $0x38;
	[tilespmem:$0x7000] =	vst v63  }
0x1f: {  	_ =	swait.ge [sflag:s12], $0x400  }
0x20: {  	[sflag:s12] =	ssyncset.done $0x0  }
0x21: {  	[sflag:s12] =	ssyncadd.s32 $0xFFFFFC00  }
0x22: {  	[tilespmem:s19], [sflag:$0x1] =	stream.strided.gather [hbm4b:s8+s14], $0x400, s15, s14, $0x38;
	[tilespmem:$0x7000] =	vst v63  }
0x23: {  	_ =	swait.ge [sflag:s12], $0x400  }
0x24: {  	[sflag:s12] =	ssyncset.done $0x0  }
0x25: {  	s23 =	simm.s32 $0x0;
	[sflag:s12] =	ssyncadd.s32 $0xFFFFFC00  }
0x26: {  	v0 =	vld [tilespmem:s23+$0x0];
	_ =	sdelay $0x5  }
0x27: {  	v1 =	vld [tilespmem:s23+$0x1800];
	_ =	sdelay $0x1  }
0x28: {  	v2 =	vld.idx.msk [tilespmem:v0+s16+$0x0], $0xffff;
	_ =	sdelay $0x4  }
0x29: {  	[tilespmem:s23+$0x3000] =	vst v2  }
0x2a: {  	v2 =	vld.idx.msk [tilespmem:v1+s18+$0x0], $0xffff  }
0x2b: {  	v3 =	vld.idx.msk [tilespmem:v0+s17+$0x0], $0xffff  }
0x2c: {  	v4 =	vld.idx.msk [tilespmem:v1+s17+$0x0], $0xffff  }
0x2d: {  	v5 =	vld.idx.msk [tilespmem:v0+s18+$0x0], $0xffff  }
0x2e: {  	v1 =	vld.idx.msk [tilespmem:v1+s19+$0x0], $0xffff  }
0x2f: {  	v0 =	vld.idx.msk [tilespmem:v0+s19+$0x0], $0xffff;
	_ =	sdelay $0x2  }
0x30: {  	v3 =	vsub.f32 v3, v4;
	v2 =	vsub.f32 v5, v2;
	_ =	sdelay $0x1  }
0x31: {  	v0 =	vsub.f32 v0, v1;
	v3 =	vmul.f32 v3, v3;
	v1 =	vmul.f32 v2, v2;
	v2 =	vld [tilespmem:s23+$0x10];
	_ =	sdelay $0x1  }
0x32: {  	v0 =	vmul.f32 v0, v0;
	v1 =	vadd.f32 v1, v3;
	_ =	sdelay $0x1  }
0x33: {  	v0 =	vadd.f32 v0, v1;
	_ =	sdelay $0x1  }
0x34: {  	[tilespmem:s23+$0x4800] =	vst v0;
	v0 =	vld [tilespmem:s23+$0x1810];
	_ =	sdelay $0x1  }
0x35: {  	v1 =	vld.idx.msk [tilespmem:v2+s16+$0x0], $0xffff;
	_ =	sdelay $0x4  }
0x36: {  	[tilespmem:s23+$0x3010] =	vst v1  }
0x37: {  	v1 =	vld.idx.msk [tilespmem:v0+s17+$0x0], $0xffff  }
0x38: {  	v3 =	vld.idx.msk [tilespmem:v2+s18+$0x0], $0xffff  }
0x39: {  	v4 =	vld.idx.msk [tilespmem:v2+s17+$0x0], $0xffff  }
0x3a: {  	v5 =	vld.idx.msk [tilespmem:v0+s18+$0x0], $0xffff  }
0x3b: {  	v2 =	vld.idx.msk [tilespmem:v2+s19+$0x0], $0xffff  }
0x3c: {  	v0 =	vld.idx.msk [tilespmem:v0+s19+$0x0], $0xffff;
	_ =	sdelay $0x2  }
0x3d: {  	v1 =	vsub.f32 v4, v1;
	v3 =	vsub.f32 v3, v5  }
0x3e: {  	v4 =	vld [tilespmem:s23+$0x20]  }
0x3f: {  	v0 =	vsub.f32 v2, v0;
	v1 =	vmul.f32 v1, v1;
	v2 =	vmul.f32 v3, v3;
	_ =	sdelay $0x1  }
0x40: {  	v0 =	vmul.f32 v0, v0;
	v1 =	vadd.f32 v2, v1;
	_ =	sdelay $0x1  }
0x41: {  	v0 =	vadd.f32 v0, v1;
	_ =	sdelay $0x1  }
0x42: {  	v1 =	vld [tilespmem:s23+$0x1820];
	[tilespmem:s23+$0x4810] =	vst v0  }
0x43: {  	v0 =	vld.idx.msk [tilespmem:v4+s16+$0x0], $0xffff;
	_ =	sdelay $0x4  }
0x44: {  	[tilespmem:s23+$0x3020] =	vst v0  }
0x45: {  	v0 =	vld.idx.msk [tilespmem:v4+s18+$0x0], $0xffff  }
0x46: {  	v2 =	vld.idx.msk [tilespmem:v4+s17+$0x0], $0xffff  }
0x47: {  	v3 =	vld.idx.msk [tilespmem:v1+s18+$0x0], $0xffff  }
0x48: {  	v5 =	vld.idx.msk [tilespmem:v1+s17+$0x0], $0xffff  }
0x49: {  	v4 =	vld.idx.msk [tilespmem:v4+s19+$0x0], $0xffff  }
0x4a: {  	v1 =	vld.idx.msk [tilespmem:v1+s19+$0x0], $0xffff;
	_ =	sdelay $0x2  }
0x4b: {  	v0 =	vsub.f32 v0, v3;
	v2 =	vsub.f32 v2, v5  }
0x4c: {  	v3 =	vld [tilespmem:s23+$0x30]  }
0x4d: {  	v1 =	vsub.f32 v4, v1;
	v0 =	vmul.f32 v0, v0;
	v2 =	vmul.f32 v2, v2;
	_ =	sdelay $0x1  }
0x4e: {  	v1 =	vmul.f32 v1, v1;
	v0 =	vadd.f32 v0, v2;
	_ =	sdelay $0x1  }
0x4f: {  	v0 =	vadd.f32 v1, v0;
	_ =	sdelay $0x1  }
0x50: {  	[tilespmem:s23+$0x4820] =	vst v0;
	v0 =	vld [tilespmem:s23+$0x1830]  }
0x51: {  	v1 =	vld.idx.msk [tilespmem:v3+s16+$0x0], $0xffff;
	_ =	sdelay $0x4  }
0x52: {  	[tilespmem:s23+$0x3030] =	vst v1  }
0x53: {  	v1 =	vld.idx.msk [tilespmem:v3+s17+$0x0], $0xffff  }
0x54: {  	v4 =	vld.idx.msk [tilespmem:v3+s18+$0x0], $0xffff  }
0x55: {  	v2 =	vld.idx.msk [tilespmem:v0+s17+$0x0], $0xffff  }
0x56: {  	v5 =	vld.idx.msk [tilespmem:v0+s18+$0x0], $0xffff  }
0x57: {  	v3 =	vld.idx.msk [tilespmem:v3+s19+$0x0], $0xffff  }
0x58: {  	v0 =	vld.idx.msk [tilespmem:v0+s19+$0x0], $0xffff;
	_ =	sdelay $0x2  }
0x59: {  	v1 =	vsub.f32 v1, v2;
	v2 =	vsub.f32 v4, v5  }
0x5a: {  	v4 =	vld [tilespmem:s23+$0x40]  }
0x5b: {  	v0 =	vsub.f32 v3, v0;
	v1 =	vmul.f32 v1, v1;
	v2 =	vmul.f32 v2, v2;
	_ =	sdelay $0x1  }
0x5c: {  	v0 =	vmul.f32 v0, v0;
	v1 =	vadd.f32 v2, v1;
	_ =	sdelay $0x1  }
0x5d: {  	v0 =	vadd.f32 v0, v1;
	_ =	sdelay $0x1  }
0x5e: {  	v1 =	vld [tilespmem:s23+$0x1840];
	[tilespmem:s23+$0x4830] =	vst v0  }
0x5f: {  	v0 =	vld.idx.msk [tilespmem:v4+s16+$0x0], $0xffff;
	_ =	sdelay $0x4  }
0x60: {  	[tilespmem:s23+$0x3040] =	vst v0  }
0x61: {  	v0 =	vld.idx.msk [tilespmem:v4+s17+$0x0], $0xffff  }
0x62: {  	v2 =	vld.idx.msk [tilespmem:v4+s18+$0x0], $0xffff  }
0x63: {  	v3 =	vld.idx.msk [tilespmem:v1+s17+$0x0], $0xffff  }
0x64: {  	v5 =	vld.idx.msk [tilespmem:v1+s18+$0x0], $0xffff  }
0x65: {  	v4 =	vld.idx.msk [tilespmem:v4+s19+$0x0], $0xffff  }
0x66: {  	v1 =	vld.idx.msk [tilespmem:v1+s19+$0x0], $0xffff;
	_ =	sdelay $0x2  }
0x67: {  	v0 =	vsub.f32 v0, v3;
	v2 =	vsub.f32 v2, v5  }
0x68: {  	v3 =	vld [tilespmem:s23+$0x50]  }
0x69: {  	v1 =	vsub.f32 v4, v1;
	v0 =	vmul.f32 v0, v0;
	v2 =	vmul.f32 v2, v2;
	_ =	sdelay $0x1  }
0x6a: {  	v1 =	vmul.f32 v1, v1;
	v0 =	vadd.f32 v2, v0;
	_ =	sdelay $0x1  }
0x6b: {  	v0 =	vadd.f32 v1, v0;
	_ =	sdelay $0x1  }
0x6c: {  	[tilespmem:s23+$0x4840] =	vst v0  }
0x6d: {  	v1 =	vld.idx.msk [tilespmem:v3+s16+$0x0], $0xffff  }
0x6e: {  	v0 =	vld [tilespmem:s23+$0x1850];
	_ =	sdelay $0x3  }
0x6f: {  	[tilespmem:s23+$0x3050] =	vst v1  }
0x70: {  	v2 =	vld.idx.msk [tilespmem:v3+s17+$0x0], $0xffff  }
0x71: {  	v4 =	vld.idx.msk [tilespmem:v3+s18+$0x0], $0xffff  }
0x72: {  	v3 =	vld.idx.msk [tilespmem:v3+s19+$0x0], $0xffff  }
0x73: {  	v1 =	vld.idx.msk [tilespmem:v0+s17+$0x0], $0xffff  }
0x74: {  	v5 =	vld.idx.msk [tilespmem:v0+s18+$0x0], $0xffff  }
0x75: {  	v0 =	vld.idx.msk [tilespmem:v0+s19+$0x0], $0xffff;
	_ =	sdelay $0x3  }
0x76: {  	v1 =	vsub.f32 v2, v1;
	v2 =	vsub.f32 v4, v5  }
0x77: {  	v0 =	vsub.f32 v3, v0;
	v3 =	vld [tilespmem:s23+$0x60]  }
0x78: {  	v1 =	vmul.f32 v1, v1;
	v2 =	vmul.f32 v2, v2;
	_ =	sdelay $0x1  }
0x79: {  	v0 =	vmul.f32 v0, v0;
	v1 =	vadd.f32 v2, v1;
	_ =	sdelay $0x1  }
0x7a: {  	v0 =	vadd.f32 v0, v1;
	_ =	sdelay $0x1  }
0x7b: {  	[tilespmem:s23+$0x4850] =	vst v0;
	v0 =	vld [tilespmem:s23+$0x1860]  }
0x7c: {  	v1 =	vld.idx.msk [tilespmem:v3+s16+$0x0], $0xffff;
	_ =	sdelay $0x4  }
0x7d: {  	[tilespmem:s23+$0x3060] =	vst v1  }
0x7e: {  	v2 =	vld.idx.msk [tilespmem:v3+s18+$0x0], $0xffff  }
0x7f: {  	v5 =	vld.idx.msk [tilespmem:v3+s17+$0x0], $0xffff  }
0x80: {  	v1 =	vld.idx.msk [tilespmem:v0+s17+$0x0], $0xffff  }
0x81: {  	v4 =	vld.idx.msk [tilespmem:v0+s18+$0x0], $0xffff  }
0x82: {  	v3 =	vld.idx.msk [tilespmem:v3+s19+$0x0], $0xffff  }
0x83: {  	v6 =	vld.idx.msk [tilespmem:v0+s19+$0x0], $0xffff;
	_ =	sdelay $0x2  }
0x84: {  	v4 =	vsub.f32 v2, v4;
	v2 =	vsub.f32 v5, v1  }
0x85: {  	v0 =	vld [tilespmem:s23+$0x70]  }
0x86: {  	s24 =	simm.s32 $0x200;
	v1 =	vsub.f32 v3, v6;
	v2 =	vmul.f32 v2, v2;
	v3 =	vmul.f32 v4, v4  }
.LBB2_2:
0x87: {  	p0 =	sne.s32 s24, $0x5E00;
	s25 =	smov.u32 s24;
	s24 =	sadd.s32 $0x200, s24  }
0x88: {  	v2 =	vadd.f32 v3, v2;
	v1 =	vmul.f32 v1, v1;
	_ =	sdelay $0x1  }
0x89: {  	v1 =	vadd.f32 v1, v2;
	_ =	sdelay $0x1  }
0x8a: {  	[tilespmem:s23+$0x4860] =	vst v1;
	v1 =	vld [tilespmem:s23+$0x1870]  }
0x8b: {  	v2 =	vld.idx.msk [tilespmem:v0+s16+$0x0], $0xffff;
	_ =	sdelay $0x5  }
0x8c: {  	[tilespmem:s23+$0x3070] =	vst v2  }
0x8d: {  	v2 =	vld.idx.msk [tilespmem:v0+s19+$0x0], $0xffff  }
0x8e: {  	v3 =	vld.idx.msk [tilespmem:v1+s19+$0x0], $0xffff  }
0x8f: {  	v4 =	vld.idx.msk [tilespmem:v0+s17+$0x0], $0xffff  }
0x90: {  	v5 =	vld.idx.msk [tilespmem:v1+s18+$0x0], $0xffff  }
0x91: {  	v1 =	vld.idx.msk [tilespmem:v1+s17+$0x0], $0xffff  }
0x92: {  	v0 =	vld.idx.msk [tilespmem:v0+s18+$0x0], $0xffff;
	_ =	sdelay $0x4  }
0x93: {  	v2 =	vsub.f32 v2, v3;
	v1 =	vsub.f32 v4, v1  }
0x94: {  	s25 =	sshra.s32 s25, $0x2;
	v0 =	vsub.f32 v0, v5  }
0x95: {  	v2 =	vmul.f32 v2, v2;
	v1 =	vmul.f32 v1, v1;
	v3 =	vld [tilespmem:s25+$0x0]  }
0x96: {  	v0 =	vmul.f32 v0, v0;
	_ =	sdelay $0x1  }
0x97: {  	v0 =	vadd.f32 v0, v1;
	_ =	sdelay $0x1  }
0x98: {  	v0 =	vadd.f32 v2, v0;
	_ =	sdelay $0x1  }
0x99: {  	v1 =	vld [tilespmem:s25+$0x1800];
	[tilespmem:s23+$0x4870] =	vst v0;
	s23 =	smov.u32 s25  }
0x9a: {  	v0 =	vld.idx.msk [tilespmem:v3+s16+$0x0], $0xffff;
	_ =	sdelay $0x5  }
0x9b: {  	[tilespmem:s23+$0x3000] =	vst v0  }
0x9c: {  	v0 =	vld.idx.msk [tilespmem:v1+s18+$0x0], $0xffff  }
0x9d: {  	v2 =	vld.idx.msk [tilespmem:v3+s17+$0x0], $0xffff  }
0x9e: {  	v4 =	vld.idx.msk [tilespmem:v1+s17+$0x0], $0xffff  }
0x9f: {  	v5 =	vld.idx.msk [tilespmem:v3+s18+$0x0], $0xffff  }
0xa0: {  	v1 =	vld.idx.msk [tilespmem:v1+s19+$0x0], $0xffff  }
0xa1: {  	v3 =	vld.idx.msk [tilespmem:v3+s19+$0x0], $0xffff;
	_ =	sdelay $0x2  }
0xa2: {  	v2 =	vsub.f32 v2, v4  }
0xa3: {  	v0 =	vsub.f32 v5, v0  }
0xa4: {  	v2 =	vmul.f32 v2, v2;
	v4 =	vld [tilespmem:s23+$0x10]  }
0xa5: {  	v1 =	vsub.f32 v3, v1;
	v0 =	vmul.f32 v0, v0;
	_ =	sdelay $0x1  }
0xa6: {  	v0 =	vadd.f32 v0, v2;
	v1 =	vmul.f32 v1, v1;
	_ =	sdelay $0x1  }
0xa7: {  	v0 =	vadd.f32 v1, v0;
	_ =	sdelay $0x1  }
0xa8: {  	[tilespmem:s23+$0x4800] =	vst v0;
	v0 =	vld [tilespmem:s23+$0x1810]  }
0xa9: {  	v1 =	vld.idx.msk [tilespmem:v4+s16+$0x0], $0xffff;
	_ =	sdelay $0x5  }
0xaa: {  	[tilespmem:s23+$0x3010] =	vst v1  }
0xab: {  	v1 =	vld.idx.msk [tilespmem:v4+s19+$0x0], $0xffff  }
0xac: {  	v2 =	vld.idx.msk [tilespmem:v0+s19+$0x0], $0xffff  }
0xad: {  	v3 =	vld.idx.msk [tilespmem:v0+s17+$0x0], $0xffff  }
0xae: {  	v5 =	vld.idx.msk [tilespmem:v4+s18+$0x0], $0xffff  }
0xaf: {  	v4 =	vld.idx.msk [tilespmem:v4+s17+$0x0], $0xffff  }
0xb0: {  	v0 =	vld.idx.msk [tilespmem:v0+s18+$0x0], $0xffff;
	_ =	sdelay $0x4  }
0xb1: {  	v1 =	vsub.f32 v1, v2;
	v3 =	vsub.f32 v4, v3  }
0xb2: {  	v0 =	vsub.f32 v5, v0  }
0xb3: {  	v2 =	vmul.f32 v3, v3;
	v3 =	vld [tilespmem:s23+$0x20]  }
0xb4: {  	v1 =	vmul.f32 v1, v1;
	v0 =	vmul.f32 v0, v0;
	_ =	sdelay $0x1  }
0xb5: {  	v0 =	vadd.f32 v0, v2;
	_ =	sdelay $0x1  }
0xb6: {  	v0 =	vadd.f32 v1, v0;
	_ =	sdelay $0x1  }
0xb7: {  	[tilespmem:s23+$0x4810] =	vst v0  }
0xb8: {  	v0 =	vld.idx.msk [tilespmem:v3+s16+$0x0], $0xffff  }
0xb9: {  	v1 =	vld [tilespmem:s23+$0x1820];
	_ =	sdelay $0x4  }
0xba: {  	[tilespmem:s23+$0x3020] =	vst v0  }
0xbb: {  	v0 =	vld.idx.msk [tilespmem:v3+s19+$0x0], $0xffff  }
0xbc: {  	v2 =	vld.idx.msk [tilespmem:v3+s18+$0x0], $0xffff  }
0xbd: {  	v4 =	vld.idx.msk [tilespmem:v1+s19+$0x0], $0xffff  }
0xbe: {  	v3 =	vld.idx.msk [tilespmem:v3+s17+$0x0], $0xffff  }
0xbf: {  	v5 =	vld.idx.msk [tilespmem:v1+s18+$0x0], $0xffff  }
0xc0: {  	v1 =	vld.idx.msk [tilespmem:v1+s17+$0x0], $0xffff;
	_ =	sdelay $0x4  }
0xc1: {  	v0 =	vsub.f32 v0, v4;
	v2 =	vsub.f32 v2, v5  }
0xc2: {  	v1 =	vsub.f32 v3, v1  }
0xc3: {  	v2 =	vmul.f32 v2, v2;
	v3 =	vld [tilespmem:s23+$0x30]  }
0xc4: {  	v0 =	vmul.f32 v0, v0;
	v1 =	vmul.f32 v1, v1;
	_ =	sdelay $0x1  }
0xc5: {  	v1 =	vadd.f32 v2, v1;
	_ =	sdelay $0x1  }
0xc6: {  	v0 =	vadd.f32 v0, v1;
	_ =	sdelay $0x1  }
0xc7: {  	[tilespmem:s23+$0x4820] =	vst v0;
	v0 =	vld [tilespmem:s23+$0x1830]  }
0xc8: {  	v1 =	vld.idx.msk [tilespmem:v3+s16+$0x0], $0xffff;
	_ =	sdelay $0x5  }
0xc9: {  	[tilespmem:s23+$0x3030] =	vst v1  }
0xca: {  	v1 =	vld.idx.msk [tilespmem:v0+s19+$0x0], $0xffff  }
0xcb: {  	v2 =	vld.idx.msk [tilespmem:v3+s17+$0x0], $0xffff  }
0xcc: {  	v4 =	vld.idx.msk [tilespmem:v0+s17+$0x0], $0xffff  }
0xcd: {  	v5 =	vld.idx.msk [tilespmem:v3+s19+$0x0], $0xffff  }
0xce: {  	v3 =	vld.idx.msk [tilespmem:v3+s18+$0x0], $0xffff  }
0xcf: {  	v0 =	vld.idx.msk [tilespmem:v0+s18+$0x0], $0xffff;
	_ =	sdelay $0x2  }
0xd0: {  	v2 =	vsub.f32 v2, v4;
	_ =	sdelay $0x1  }
0xd1: {  	v1 =	vsub.f32 v5, v1;
	v2 =	vmul.f32 v2, v2  }
0xd2: {  	v0 =	vsub.f32 v3, v0  }
0xd3: {  	v3 =	vld [tilespmem:s23+$0x40]  }
0xd4: {  	v1 =	vmul.f32 v1, v1;
	v0 =	vmul.f32 v0, v0;
	_ =	sdelay $0x1  }
0xd5: {  	v0 =	vadd.f32 v0, v2;
	_ =	sdelay $0x1  }
0xd6: {  	v0 =	vadd.f32 v1, v0;
	_ =	sdelay $0x1  }
0xd7: {  	[tilespmem:s23+$0x4830] =	vst v0  }
0xd8: {  	v0 =	vld.idx.msk [tilespmem:v3+s16+$0x0], $0xffff  }
0xd9: {  	v1 =	vld [tilespmem:s23+$0x1840];
	_ =	sdelay $0x4  }
0xda: {  	[tilespmem:s23+$0x3040] =	vst v0  }
0xdb: {  	v0 =	vld.idx.msk [tilespmem:v3+s17+$0x0], $0xffff  }
0xdc: {  	v2 =	vld.idx.msk [tilespmem:v3+s18+$0x0], $0xffff  }
0xdd: {  	v4 =	vld.idx.msk [tilespmem:v1+s17+$0x0], $0xffff  }
0xde: {  	v5 =	vld.idx.msk [tilespmem:v1+s18+$0x0], $0xffff  }
0xdf: {  	v3 =	vld.idx.msk [tilespmem:v3+s19+$0x0], $0xffff  }
0xe0: {  	v1 =	vld.idx.msk [tilespmem:v1+s19+$0x0], $0xffff;
	_ =	sdelay $0x2  }
0xe1: {  	v0 =	vsub.f32 v0, v4  }
0xe2: {  	v2 =	vsub.f32 v2, v5  }
0xe3: {  	v0 =	vmul.f32 v0, v0;
	v4 =	vld [tilespmem:s23+$0x50]  }
0xe4: {  	v1 =	vsub.f32 v3, v1;
	v2 =	vmul.f32 v2, v2;
	_ =	sdelay $0x1  }
0xe5: {  	v0 =	vadd.f32 v2, v0;
	v1 =	vmul.f32 v1, v1;
	_ =	sdelay $0x1  }
0xe6: {  	v0 =	vadd.f32 v1, v0;
	_ =	sdelay $0x1  }
0xe7: {  	[tilespmem:s23+$0x4840] =	vst v0;
	v0 =	vld [tilespmem:s23+$0x1850]  }
0xe8: {  	v1 =	vld.idx.msk [tilespmem:v4+s16+$0x0], $0xffff;
	_ =	sdelay $0x5  }
0xe9: {  	[tilespmem:s23+$0x3050] =	vst v1  }
0xea: {  	v1 =	vld.idx.msk [tilespmem:v0+s17+$0x0], $0xffff  }
0xeb: {  	v2 =	vld.idx.msk [tilespmem:v4+s17+$0x0], $0xffff  }
0xec: {  	v3 =	vld.idx.msk [tilespmem:v4+s18+$0x0], $0xffff  }
0xed: {  	v5 =	vld.idx.msk [tilespmem:v0+s18+$0x0], $0xffff  }
0xee: {  	v4 =	vld.idx.msk [tilespmem:v4+s19+$0x0], $0xffff  }
0xef: {  	v0 =	vld.idx.msk [tilespmem:v0+s19+$0x0], $0xffff;
	_ =	sdelay $0x2  }
0xf0: {  	v1 =	vsub.f32 v2, v1  }
0xf1: {  	v2 =	vsub.f32 v3, v5  }
0xf2: {  	v1 =	vmul.f32 v1, v1;
	v3 =	vld [tilespmem:s23+$0x60]  }
0xf3: {  	v0 =	vsub.f32 v4, v0;
	v2 =	vmul.f32 v2, v2;
	_ =	sdelay $0x1  }
0xf4: {  	v1 =	vadd.f32 v2, v1;
	v0 =	vmul.f32 v0, v0;
	_ =	sdelay $0x1  }
0xf5: {  	v0 =	vadd.f32 v0, v1;
	_ =	sdelay $0x1  }
0xf6: {  	[tilespmem:s23+$0x4850] =	vst v0;
	v0 =	vld [tilespmem:s23+$0x1860]  }
0xf7: {  	v1 =	vld.idx.msk [tilespmem:v3+s16+$0x0], $0xffff;
	_ =	sdelay $0x5  }
0xf8: {  	[tilespmem:s23+$0x3060] =	vst v1  }
0xf9: {  	v1 =	vld.idx.msk [tilespmem:v0+s17+$0x0], $0xffff  }
0xfa: {  	v2 =	vld.idx.msk [tilespmem:v3+s18+$0x0], $0xffff  }
0xfb: {  	v4 =	vld.idx.msk [tilespmem:v0+s18+$0x0], $0xffff  }
0xfc: {  	v5 =	vld.idx.msk [tilespmem:v3+s17+$0x0], $0xffff  }
0xfd: {  	v3 =	vld.idx.msk [tilespmem:v3+s19+$0x0], $0xffff  }
0xfe: {  	v6 =	vld.idx.msk [tilespmem:v0+s19+$0x0], $0xffff;
	_ =	sdelay $0x1  }
.Ltmp0:
0xff: {  	(pc) =	sbr.rel @p0 .LBB2_2-.Ltmp0, $4  }
0x100: {  	v4 =	vsub.f32 v2, v4  }
0x101: {  	v2 =	vsub.f32 v5, v1  }
0x102: {  	v0 =	vld [tilespmem:s23+$0x70]  }
0x103: {  	v1 =	vsub.f32 v3, v6;
	v2 =	vmul.f32 v2, v2;
	v3 =	vmul.f32 v4, v4  }
0x104: {  	_ =	sdelay $0x1  }
0x105: {  	v2 =	vadd.f32 v3, v2;
	v1 =	vmul.f32 v1, v1;
	_ =	sdelay $0x1  }
0x106: {  	v1 =	vadd.f32 v1, v2;
	_ =	sdelay $0x1  }
0x107: {  	v58 =	vld [tilespmem:s23+$0x1870];
	[tilespmem:s23+$0x4860] =	vst v1  }
0x108: {  	v59 =	vld.idx.msk [tilespmem:v0+s16+$0x0], $0xffff;
	_ =	sdelay $0x4  }
0x109: {  	[tilespmem:s23+$0x3070] =	vst v59  }
0x10a: {  	v2 =	vld.idx.msk [tilespmem:v0+s17+$0x0], $0xffff  }
0x10b: {  	v60 =	vld.idx.msk [tilespmem:v58+s18+$0x0], $0xffff  }
0x10c: {  	v4 =	vld.idx.msk [tilespmem:v58+s17+$0x0], $0xffff  }
0x10d: {  	v5 =	vld.idx.msk [tilespmem:v0+s18+$0x0], $0xffff  }
0x10e: {  	v61 =	vld.idx.msk [tilespmem:v0+s19+$0x0], $0xffff  }
0x10f: {  	v1 =	vld.idx.msk [tilespmem:v58+s19+$0x0], $0xffff;
	_ =	sdelay $0x2  }
0x110: {  	v2 =	vsub.f32 v2, v4;
	v3 =	vsub.f32 v5, v60;
	_ =	sdelay $0x1  }
0x111: {  	v0 =	vsub.f32 v61, v1;
	v62 =	vmul.f32 v2, v2;
	v63 =	vmul.f32 v3, v3;
	_ =	sdelay $0x1  }
0x112: {  	v0 =	vmul.f32 v0, v0;
	v1 =	vadd.f32 v63, v62;
	_ =	sdelay $0x1  }
0x113: {  	v0 =	vadd.f32 v0, v1;
	_ =	sdelay $0x1  }
0x114: {  	[tilespmem:s23+$0x4870] =	vst v0  }
0x115: {  	[hbm4b:s9+s2] =	stream.linear.scatter [tilespmem:s20], [sflag:$0x1], $0x1800, $0x38;
	[tilespmem:$0x7000] =	vst v63  }
0x116: {  	s22 =	sadd.s32 $0x1, s22;
	_ =	swait.ge [sflag:s12], $0x1800  }
0x117: {  	p0 =	sne.s32 s22, s11;
	[sflag:s12] =	ssyncset.done $0x0  }
.Ltmp1:
0x118: {  	[sflag:s12] =	ssyncadd.s32 $0xFFFFE800;
	(pc) =	sbr.rel @p0 .LBB2_1-.Ltmp1, $4  }
0x119: {  	[hbm4b:s10+s2] =	stream.linear.scatter [tilespmem:s21], [sflag:$0x1], $0x1800, $0x38;
	[tilespmem:$0x7000] =	vst v63  }
0x11a: {  	_ =	swait.ge [sflag:s12], $0x1800  }
0x11b: {  	[sflag:s12] =	ssyncset.done $0x0  }
0x11c: {  	[sflag:s12] =	ssyncadd.s32 $0xFFFFE800  }
0x11d: {  	_ =	sfence.sel $0x180000  }
0x11e: {  	[bflag:$0x0] =	sbarrier.arrive $0xFFFF  }
0x11f: {  	p0 =	sne.s32 s0, $0x0;
	_ =	strace $0x9000004A  }
0x120: {  	s0 =	sadd.s32 @!p0 $0x100000, s1;
	[bflag:$0x2] =	sbarrier.arrive $0xFFFF  }
0x121: {  	[sflag:s0] =	ssyncadd.tile.s32 @!p0 $0x1;
	_ =	shalt  }
.Lfunc_end2:
_tile_overlayer_lowered:
.L_overlay_start_2:
0x122: {  	(tag) =	ssettag $0x2  }
0x123: {  	s0 =	rddreg [dreg:$0x0];
	s2 =	stileid.u32  }
0x124: {  	s1 =	rddreg [dreg:$0x1];
	p0 =	sne.s32 s2, $0x0  }
0x125: {  	s3 =	rddreg [dreg:$0x2];
	[bflag:$0x3] =	sbarrier.arrive $0xFFFF;
	s2 =	simm.s32 @!p0 $0x1C01  }
0x126: {  	[timem:s3], [sflag:s2] =	dma.local @!p0 [hbm:s0], s1  }
0x127: {  	s0 =	simm.s32 @!p0 $0x1  }
0x128: {  	_ =	swait.ge @!p0 [sflag:s0], s1  }
0x129: {  	s1 =	ssub.s32 @!p0 $0x0, s1;
	[sflag:s0] =	ssyncset.done @!p0 $0x0  }
0x12a: {  	[sflag:s0] =	ssyncadd.s32 @!p0 s1  }
0x12b: {  	[bflag:$0x3] =	sbarrier.arrive $0xFFFF  }
0x12c: {  	_ =	shalt  }

// kernel: kernel.9.cloned.1.call-start
scs
__scs_entry_jumppad:
0x0: {  	(pc) =	sbr.rel $0x88, $3  }
0x1: {  	(tag) =	ssettag $0x0;
	lr =	simm.s32 $0x1  }
0x2: {  	[smem:$0x3F96] =	sst lr;
	_ =	strace $0xD0000000  }
0x3: {  	_ = 	snop  }
0x4: {  	_ = 	snop  }
0x5: {  	_ = 	snop  }
0x6: {  	_ = 	snop  }
0x7: {  	_ = 	snop  }
__scs_overlays_trampoline_lowered:
0x8: {  	[smem:$0x3FA5] =	sst s0  }
0x9: {  	[smem:$0x3FA6] =	sst s1  }
0xa: {  	[smem:$0x3FA7] =	sst s2  }
0xb: {  	[smem:$0x3FA8] =	sst s3  }
0xc: {  	[smem:$0x3FA9] =	sst s4  }
0xd: {  	[smem:$0x3FAA] =	sst s5  }
0xe: {  	[smem:$0x3FAB] =	sst s6  }
0xf: {  	[smem:$0x3FAC] =	sst s7  }
0x10: {  	[smem:$0x3FAD] =	sst s8  }
0x11: {  	[smem:$0x3FAE] =	sst s9;
	s0 =	simm.s32 @!p0 $0x0  }
0x12: {  	s1 =	sld [smem:$0x3F94];
	s0 =	simm.s32 @p0 $0x1  }
0x13: {  	[smem:$0x3FAF] =	sst s0;
	s0 =	simm.s32 @!p1 $0x0  }
0x14: {  	s2 =	sld [smem:$0x3F93];
	s0 =	simm.s32 @p1 $0x1  }
0x15: {  	[smem:$0x3FB0] =	sst s0;
	s0 =	simm.s32 @!p2 $0x0  }
0x16: {  	s3 =	sld [smem:$0x3FDB];
	s0 =	simm.s32 @p2 $0x1  }
0x17: {  	s4 =	simm.s32 $0x1BF5;
	[smem:$0x3FB2] =	sst s0  }
0x18: {  	s0 =	sld [smem:$0x3F95];
	_ =	swait.ge [sflag:s4], $0x0  }
0x19: {  	s7 =	sld [smem:$0x3F96]  }
0x1a: {  	s8 =	sadd.s32 $0xFFFFE003, lr  }
0x1b: {  	s9 =	sadd.s32 $0xFFFFFEF7, lr;
	s5 =	simm.s32 $0xFFFFFFFF;
	p2 =	slt.u32 s8, $0xFFFFF086  }
0x1c: {  	p1 =	slt.u32 s9, $0xF7A;
	s5 =	simm.s32 @!p2 $0x0  }
0x1d: {  	s5 =	simm.s32 @p1 $0x1;
	p0 =	seq.s32 s7, s2  }
0x1e: {  	s7 =	smul.u32 @!p0 $0xF7A, s2;
	p2 =	seq.s32 @!p0 s5, $0x0  }
0x1f: {  	s9 =	smul.u32 $0xF7A, s1;
	s8 =	simm.s32 @!p0 $0x1BF5;
	p2 =	por !p2, p0  }
0x20: {  	[sflag:s8] =	ssyncset.s32 @!p0 $0xFFFFF086;
	s6 =	sadd.s32 @!p0 s3, s7;
	s7 =	simm.s32 @!p0 $0x108  }
0x21: {  	s3 =	sadd.s32 s3, s9;
	s6 =	sadd.s32 @!p0 $0x88, s6;
	s7 =	simm.s32 @p2 $0x1082  }
0x22: {  	[simem:s7], [sflag:s8] =	dma.local @!p0 [hbm:s6], $0xF7A  }
0x23: {  	s9 =	sor.u32 $0xD0000000, s2;
	s6 =	simm.s32 $0x108;
	_ =	swait.ge @!p0 [sflag:s8], $0x0  }
0x24: {  	s3 =	sadd.s32 $0x88, s3;
	s6 =	simm.s32 @!p1 $0x1082;
	[sflag:s4] =	ssyncset.s32 $0xFFFFF086  }
0x25: {  	[simem:s6], [sflag:s4] =	dma.local [hbm:s3], $0xF7A  }
0x26: {  	[smem:$0x3F96] =	sst s1;
	(tag) =	ssettag s2;
	_ =	strace s9  }
0x27: {  	s1 =	sld [smem:$0x3FA6]  }
0x28: {  	s2 =	sld [smem:$0x3FA7]  }
0x29: {  	s4 =	sld [smem:$0x3FA9]  }
0x2a: {  	p0 =	seq.s32 s5, $0x0;
	s5 =	sld [smem:$0x3FAA]  }
0x2b: {  	s6 =	sld [smem:$0x3FAB]  }
0x2c: {  	s7 =	sld [smem:$0x3FAC]  }
0x2d: {  	s3 =	simm.s32 $0x108;
	s8 =	sld [smem:$0x3FAD]  }
0x2e: {  	s3 =	simm.s32 @!p0 $0x1082;
	s9 =	sld [smem:$0x3FAE]  }
0x2f: {  	lr =	sadd.s32 s0, s3;
	s0 =	sld [smem:$0x3FA5]  }
0x30: {  	s3 =	sld [smem:$0x3FA8]  }
0x31: {  	[smem:$0x3FB1] =	sst s10  }
0x32: {  	s10 =	sld [smem:$0x3FAF];
	_ =	sdelay $0x3  }
0x33: {  	p0 =	seq.s32 s10, $0x1;
	s10 =	sld [smem:$0x3FB1];
	_ =	sdelay $0x3  }
0x34: {  	[smem:$0x3FB1] =	sst s10  }
0x35: {  	s10 =	sld [smem:$0x3FB0];
	_ =	sdelay $0x3  }
0x36: {  	p1 =	seq.s32 s10, $0x1;
	s10 =	sld [smem:$0x3FB1];
	_ =	sdelay $0x3  }
0x37: {  	[smem:$0x3FB1] =	sst s10  }
0x38: {  	s10 =	sld [smem:$0x3FB2]  }
0x39: {  	_ = 	snop;
	(pc) =	sbr.ind lr, $3  }
0x3a: {  	_ = 	snop  }
0x3b: {  	_ = 	snop  }
0x3c: {  	p2 =	seq.s32 s10, $0x1;
	s10 =	sld [smem:$0x3FB1]  }
0x3d: {  	_ =	shalt  }
0x3e: {  	_ =	shalt  }
0x3f: {  	_ =	shalt  }
0x40: {  	_ =	shalt  }
0x41: {  	_ =	shalt  }
0x42: {  	_ =	shalt  }
0x43: {  	_ =	shalt  }
0x44: {  	_ =	shalt  }
0x45: {  	_ =	shalt  }
0x46: {  	_ =	shalt  }
0x47: {  	_ =	shalt  }
0x48: {  	_ =	shalt  }
0x49: {  	_ =	shalt  }
0x4a: {  	_ =	shalt  }
0x4b: {  	_ =	shalt  }
0x4c: {  	_ =	shalt  }
0x4d: {  	_ =	shalt  }
0x4e: {  	_ =	shalt  }
0x4f: {  	_ =	shalt  }
0x50: {  	_ =	shalt  }
0x51: {  	_ =	shalt  }
0x52: {  	_ =	shalt  }
0x53: {  	_ =	shalt  }
0x54: {  	_ =	shalt  }
0x55: {  	_ =	shalt  }
0x56: {  	_ =	shalt  }
0x57: {  	_ =	shalt  }
0x58: {  	_ =	shalt  }
0x59: {  	_ =	shalt  }
0x5a: {  	_ =	shalt  }
0x5b: {  	_ =	shalt  }
0x5c: {  	_ =	shalt  }
0x5d: {  	_ =	shalt  }
0x5e: {  	_ =	shalt  }
0x5f: {  	_ =	shalt  }
0x60: {  	_ =	shalt  }
0x61: {  	_ =	shalt  }
0x62: {  	_ =	shalt  }
0x63: {  	_ =	shalt  }
0x64: {  	_ =	shalt  }
0x65: {  	_ =	shalt  }
0x66: {  	_ =	shalt  }
0x67: {  	_ =	shalt  }
0x68: {  	_ =	shalt  }
0x69: {  	_ =	shalt  }
0x6a: {  	_ =	shalt  }
0x6b: {  	_ =	shalt  }
0x6c: {  	_ =	shalt  }
0x6d: {  	_ =	shalt  }
0x6e: {  	_ =	shalt  }
0x6f: {  	_ =	shalt  }
0x70: {  	_ =	shalt  }
0x71: {  	_ =	shalt  }
0x72: {  	_ =	shalt  }
0x73: {  	_ =	shalt  }
0x74: {  	_ =	shalt  }
0x75: {  	_ =	shalt  }
0x76: {  	_ =	shalt  }
0x77: {  	_ =	shalt  }
0x78: {  	_ =	shalt  }
0x79: {  	_ =	shalt  }
0x7a: {  	_ =	shalt  }
0x7b: {  	_ =	shalt  }
0x7c: {  	_ =	shalt  }
0x7d: {  	_ =	shalt  }
0x7e: {  	_ =	shalt  }
0x7f: {  	_ =	shalt  }
0x80: {  	_ =	shalt  }
0x81: {  	_ =	shalt  }
0x82: {  	_ =	shalt  }
0x83: {  	_ =	shalt  }
0x84: {  	_ =	shalt  }
0x85: {  	_ =	shalt  }
0x86: {  	_ =	shalt  }
0x87: {  	_ =	shalt  }
.Lfunc_end0:
.L_simem_size_0:
called_computation.1_lowered:
.L_overlay_start_0:
0x88: {  	s2 =	sld [smem:$0x3FD9]  }
0x89: {  	s3 =	sld [smem:$0x3FFE];
	_ =	sdelay $0x1  }
0x8a: {  	s1 =	srdreg.scid  }
0x8b: {  	s0 =	sand.u32 $0x1, s1  }
0x8c: {  	s16 =	sshll.u32 s0, $0xA;
	s2 =	sadd.s32 s3, s2  }
0x8d: {  	s2 =	sadd.s32 s2, s16  }
0x8e: {  	[smem:$0x3FBD] =	sst s2  }
0x8f: {  	_ = 	snop  }
0x90: {  	(tm) =	ssettm $0x1  }
0x91: {  	s17 =	sld [smem:$0x3FFB];
	_ =	sdelay $0x3  }
0x92: {  	_ =	strace s17  }
0x93: {  	s2 =	sld [smem:$0x3FFC];
	_ =	sdelay $0x3  }
0x94: {  	_ =	strace s2  }
0x95: {  	s2 =	sld [smem:$0x3FFD];
	_ =	sdelay $0x3  }
0x96: {  	_ =	strace s2  }
0x97: {  	_ =	strace $0x8FFFFFFF  }
0x98: {  	s18 =	sld [smem:$0x3FDB];
	_ =	sdelay $0x1  }
0x99: {  	s19 =	simm.s32 $_scs_section_size  }
0x9a: {  	s4 =	simm.s32 $_size__tile_overlayer_lowered;
	s5 =	simm.s32 $_tile_overlayer_lowered  }
0x9b: {  	s22 =	simm.s32 $0x1BFF;
	s21 =	sshll.u32 s5, $0x1;
	s2 =	sadd.s32 s19, s18  }
0x9c: {  	s6 =	simm.s32 $0x0;
	s20 =	sshll.u32 s4, $0x1;
	s4 =	sadd.s32 s21, s2  }
0x9d: {  	[timem:s6], [sflag:s22] =	dma.local [hbm:s4], s20  }
0x9e: {  	_ =	swait.ge [sflag:s22], s20  }
0x9f: {  	s3 =	ssub.s32 $0x0, s20;
	[sflag:s22] =	ssyncset.done $0x0  }
0xa0: {  	[sflag:s22] =	ssyncadd.s32 s3;
	_ =	sdelay $0x1  }
0xa1: {  	s23 =	simm.s32 $0x1B8B  }
0xa2: {  	_ =	swait.ge [sflag:s23], $0x1  }
0xa3: {  	[sflag:s23] =	ssyncset.done $0x0  }
0xa4: {  	s25 =	simm.s32 $0x1B8E;
	s24 =	sld [smem:$0x3FFE];
	[sflag:s23] =	ssyncadd.s32 $0xFFFFFFFF  }
0xa5: {  	s26 =	simm.s32 $execute0_lowered;
	[smem:$0x3FD2] =	sst s25  }
0xa6: {  	s4 =	sshll.u32 s26, $0x1;
	_ =	strace $0x80000046;
	[dreg:$0x1] =	wrdreg $0xFFFFFFFF  }
0xa7: {  	s28 =	simm.s32 $_size_execute0_lowered;
	s2 =	sadd.s32 s2, s4;
	[dreg:$0x0] =	wrdreg $0x0  }
0xa8: {  	s4 =	sshll.u32 s28, $0x1;
	[dreg:$0x2] =	wrdreg s2  }
0xa9: {  	[dreg:$0x3] =	wrdreg s4  }
0xaa: {  	[dreg:$0x4] =	wrdreg $0xC0  }
0xab: {  	_ =	task [dreg:s6], $0x5FFFF  }
0xac: {  	[dreg:$0x1] =	wrdreg $0xFFFFFFFF  }
0xad: {  	[dreg:$0x0] =	wrdreg $0x60  }
0xae: {  	[dreg:$0x2] =	wrdreg s24  }
0xaf: {  	[dreg:$0x3] =	wrdreg $0xA  }
0xb0: {  	_ =	task.clear_ibuf [dreg:s6], $0x4FFFF;
	_ =	strace $0x90000046  }
0xb1: {  	s29 =	simm.s32 $0xA;
	_ =	strace $0x80000048  }
0xb2: {  	_ =	swait.ge [sflag:s29], $0x1  }
0xb3: {  	[sflag:s29] =	ssyncadd.s32 $0xFFFFFFFF  }
0xb4: {  	_ =	strace $0x90000048  }
0xb5: {  	_ =	sfence  }
0xb6: {  	s30 =	sld [smem:$0x0];
	_ =	sdelay $0x2  }
0xb7: {  	s31 =	sshll.u32 s1, $0xD;
	s1 =	sshrl.u32 s1, $0x2  }
0xb8: {  	s3 =	sand.u32 $0x4000, s31;
	s1 =	sadd.s32 s1, s30  }
0xb9: {  	s0 =	sor.u32 s3, s0;
	s1 =	sshll.u32 s1, $0x11  }
0xba: {  	s0 =	sor.u32 s1, s0  }
0xbb: {  	s0 =	sadd.s32 $0x8F2B, s0  }
0xbc: {  	[sflag:s0] =	ssyncadd.remote.s32 $0x1  }
0xbd: {  	_ =	sfence.sel $0xFFFF  }
0xbe: {  	[dreg:$0x0] =	wrdreg $0xFFFFFFFF;
	(pc) =	sbr.abs _section_cstart, $3  }
0xbf: {  	[dreg:$0x1] =	wrdreg $0xFFFFFFFF  }
0xc0: {  	_ =	task.clear_ibuf [dreg:s6], $0x2FFFF;
	_ =	strace $0x9FFFFFFF  }
0xc1: {  	(tm) =	ssettm $0x7FFFFFFF  }
tec
execute0_lowered:
.L_overlay_start_1:
0x0: {  	(tag) =	ssettag $0x1  }
0x1: {  	s0 =	stileid.u32;
	s1 =	srdreg.scid  }
0x2: {  	s3 =	rddreg [dreg:$0x0];
	s2 =	simm.s32 $0x0;
	s12 =	simm.s32 $0x1  }
0x3: {  	s13 =	simm.s32 $0x1800;
	s14 =	simm.s32 $0x80;
	s15 =	simm.s32 $0x200  }
0x4: {  	s16 =	simm.s32 $0x6000;
	s17 =	simm.s32 $0x6400;
	s18 =	simm.s32 $0x6800  }
0x5: {  	s19 =	simm.s32 $0x6C00;
	s20 =	simm.s32 $0x3000;
	s21 =	simm.s32 $0x4800  }
0x6: {  	s22 =	simm.s32 $0x0;
	s4 =	sand.u32 $0x1, s1;
	s1 =	rddreg [dreg:$0x1]  }
0x7: {  	s5 =	sshll.u32 s0, $0x1;
	[smem:$0x7FF] =	sst s2;
	s6 =	sshll.u32 s0, $0x2  }
0x8: {  	s5 =	sor.u32 s4, s5;
	s6 =	sand.u32 $0x30, s6;
	s4 =	ssub.s32 $0x2, s4  }
0x9: {  	s5 =	smul.u32 $0x300, s5;
	s8 =	sadd.s32 s6, s3;
	s31 =	sshrl.u32 s4, $0x1  }
0xa: {  	_ =	strace $0x80000047;
	s11 =	ssub.s32 s4, s31;
	s6 =	sadd.s32 $0x9A00, s8  }
0xb: {  	s7 =	sadd.s32 $0x9C00, s8;
	s10 =	sadd.s32 s5, s3;
	s5 =	sadd.s32 $0x9600, s8  }
0xc: {  	s8 =	sadd.s32 $0x9E00, s8;
	s11 =	smax.u32 s11, $0x1;
	s3 =	sadd.s32 $0x3600, s10  }
0xd: {  	s4 =	sadd.s32 $0x10000, s10;
	s9 =	sadd.s32 $0x16000, s10;
	s10 =	sadd.s32 $0x1C000, s10  }
.LBB2_1:
0xe: {  	[tilespmem:s2], [sflag:$0x1] =	stream.linear.gather [hbm4b:s3+s2], $0x1800, $0x38;
	[tilespmem:$0x7000] =	vst v63  }
0xf: {  	_ =	swait.ge [sflag:s12], $0x1800  }
0x10: {  	[sflag:s12] =	ssyncset.done $0x0  }
0x11: {  	[sflag:s12] =	ssyncadd.s32 $0xFFFFE800  }
0x12: {  	[tilespmem:s13], [sflag:$0x1] =	stream.linear.gather [hbm4b:s4+s2], $0x1800, $0x38;
	[tilespmem:$0x7000] =	vst v63  }
0x13: {  	_ =	swait.ge [sflag:s12], $0x1800  }
0x14: {  	[sflag:s12] =	ssyncset.done $0x0  }
0x15: {  	[sflag:s12] =	ssyncadd.s32 $0xFFFFE800  }
0x16: {  	[tilespmem:s16], [sflag:$0x1] =	stream.strided.gather [hbm4b:s5+s14], $0x400, s15, s14, $0x38;
	[tilespmem:$0x7000] =	vst v63  }
0x17: {  	_ =	swait.ge [sflag:s12], $0x400  }
0x18: {  	[sflag:s12] =	ssyncset.done $0x0  }
0x19: {  	[sflag:s12] =	ssyncadd.s32 $0xFFFFFC00  }
0x1a: {  	[tilespmem:s17], [sflag:$0x1] =	stream.strided.gather [hbm4b:s6+s14], $0x400, s15, s14, $0x38;
	[tilespmem:$0x7000] =	vst v63  }
0x1b: {  	_ =	swait.ge [sflag:s12], $0x400  }
0x1c: {  	[sflag:s12] =	ssyncset.done $0x0  }
0x1d: {  	[sflag:s12] =	ssyncadd.s32 $0xFFFFFC00  }
0x1e: {  	[tilespmem:s18], [sflag:$0x1] =	stream.strided.gather [hbm4b:s7+s14], $0x400, s15, s14, $0x38;
	[tilespmem:$0x7000] =	vst v63  }
0x1f: {  	_ =	swait.ge [sflag:s12], $0x400  }
0x20: {  	[sflag:s12] =	ssyncset.done $0x0  }
0x21: {  	[sflag:s12] =	ssyncadd.s32 $0xFFFFFC00  }
0x22: {  	[tilespmem:s19], [sflag:$0x1] =	stream.strided.gather [hbm4b:s8+s14], $0x400, s15, s14, $0x38;
	[tilespmem:$0x7000] =	vst v63  }
0x23: {  	_ =	swait.ge [sflag:s12], $0x400  }
0x24: {  	[sflag:s12] =	ssyncset.done $0x0  }
0x25: {  	s23 =	simm.s32 $0x0;
	[sflag:s12] =	ssyncadd.s32 $0xFFFFFC00  }
0x26: {  	v0 =	vld [tilespmem:s23+$0x0];
	_ =	sdelay $0x5  }
0x27: {  	v1 =	vld [tilespmem:s23+$0x1800];
	_ =	sdelay $0x1  }
0x28: {  	v2 =	vld.idx.msk [tilespmem:v0+s16+$0x0], $0xffff;
	_ =	sdelay $0x4  }
0x29: {  	[tilespmem:s23+$0x3000] =	vst v2  }
0x2a: {  	v2 =	vld.idx.msk [tilespmem:v1+s18+$0x0], $0xffff  }
0x2b: {  	v3 =	vld.idx.msk [tilespmem:v0+s17+$0x0], $0xffff  }
0x2c: {  	v4 =	vld.idx.msk [tilespmem:v1+s17+$0x0], $0xffff  }
0x2d: {  	v5 =	vld.idx.msk [tilespmem:v0+s18+$0x0], $0xffff  }
0x2e: {  	v1 =	vld.idx.msk [tilespmem:v1+s19+$0x0], $0xffff  }
0x2f: {  	v0 =	vld.idx.msk [tilespmem:v0+s19+$0x0], $0xffff;
	_ =	sdelay $0x2  }
0x30: {  	v3 =	vsub.f32 v3, v4;
	v2 =	vsub.f32 v5, v2;
	_ =	sdelay $0x1  }
0x31: {  	v0 =	vsub.f32 v0, v1;
	v3 =	vmul.f32 v3, v3;
	v1 =	vmul.f32 v2, v2;
	v2 =	vld [tilespmem:s23+$0x10];
	_ =	sdelay $0x1  }
0x32: {  	v0 =	vmul.f32 v0, v0;
	v1 =	vadd.f32 v1, v3;
	_ =	sdelay $0x1  }
0x33: {  	v0 =	vadd.f32 v0, v1;
	_ =	sdelay $0x1  }
0x34: {  	[tilespmem:s23+$0x4800] =	vst v0;
	v0 =	vld [tilespmem:s23+$0x1810];
	_ =	sdelay $0x1  }
0x35: {  	v1 =	vld.idx.msk [tilespmem:v2+s16+$0x0], $0xffff;
	_ =	sdelay $0x4  }
0x36: {  	[tilespmem:s23+$0x3010] =	vst v1  }
0x37: {  	v1 =	vld.idx.msk [tilespmem:v0+s17+$0x0], $0xffff  }
0x38: {  	v3 =	vld.idx.msk [tilespmem:v2+s18+$0x0], $0xffff  }
0x39: {  	v4 =	vld.idx.msk [tilespmem:v2+s17+$0x0], $0xffff  }
0x3a: {  	v5 =	vld.idx.msk [tilespmem:v0+s18+$0x0], $0xffff  }
0x3b: {  	v2 =	vld.idx.msk [tilespmem:v2+s19+$0x0], $0xffff  }
0x3c: {  	v0 =	vld.idx.msk [tilespmem:v0+s19+$0x0], $0xffff;
	_ =	sdelay $0x2  }
0x3d: {  	v1 =	vsub.f32 v4, v1;
	v3 =	vsub.f32 v3, v5  }
0x3e: {  	v4 =	vld [tilespmem:s23+$0x20]  }
0x3f: {  	v0 =	vsub.f32 v2, v0;
	v1 =	vmul.f32 v1, v1;
	v2 =	vmul.f32 v3, v3;
	_ =	sdelay $0x1  }
0x40: {  	v0 =	vmul.f32 v0, v0;
	v1 =	vadd.f32 v2, v1;
	_ =	sdelay $0x1  }
0x41: {  	v0 =	vadd.f32 v0, v1;
	_ =	sdelay $0x1  }
0x42: {  	v1 =	vld [tilespmem:s23+$0x1820];
	[tilespmem:s23+$0x4810] =	vst v0  }
0x43: {  	v0 =	vld.idx.msk [tilespmem:v4+s16+$0x0], $0xffff;
	_ =	sdelay $0x4  }
0x44: {  	[tilespmem:s23+$0x3020] =	vst v0  }
0x45: {  	v0 =	vld.idx.msk [tilespmem:v4+s18+$0x0], $0xffff  }
0x46: {  	v2 =	vld.idx.msk [tilespmem:v4+s17+$0x0], $0xffff  }
0x47: {  	v3 =	vld.idx.msk [tilespmem:v1+s18+$0x0], $0xffff  }
0x48: {  	v5 =	vld.idx.msk [tilespmem:v1+s17+$0x0], $0xffff  }
0x49: {  	v4 =	vld.idx.msk [tilespmem:v4+s19+$0x0], $0xffff  }
0x4a: {  	v1 =	vld.idx.msk [tilespmem:v1+s19+$0x0], $0xffff;
	_ =	sdelay $0x2  }
0x4b: {  	v0 =	vsub.f32 v0, v3;
	v2 =	vsub.f32 v2, v5  }
0x4c: {  	v3 =	vld [tilespmem:s23+$0x30]  }
0x4d: {  	v1 =	vsub.f32 v4, v1;
	v0 =	vmul.f32 v0, v0;
	v2 =	vmul.f32 v2, v2;
	_ =	sdelay $0x1  }
0x4e: {  	v1 =	vmul.f32 v1, v1;
	v0 =	vadd.f32 v0, v2;
	_ =	sdelay $0x1  }
0x4f: {  	v0 =	vadd.f32 v1, v0;
	_ =	sdelay $0x1  }
0x50: {  	[tilespmem:s23+$0x4820] =	vst v0;
	v0 =	vld [tilespmem:s23+$0x1830]  }
0x51: {  	v1 =	vld.idx.msk [tilespmem:v3+s16+$0x0], $0xffff;
	_ =	sdelay $0x4  }
0x52: {  	[tilespmem:s23+$0x3030] =	vst v1  }
0x53: {  	v1 =	vld.idx.msk [tilespmem:v3+s17+$0x0], $0xffff  }
0x54: {  	v4 =	vld.idx.msk [tilespmem:v3+s18+$0x0], $0xffff  }
0x55: {  	v2 =	vld.idx.msk [tilespmem:v0+s17+$0x0], $0xffff  }
0x56: {  	v5 =	vld.idx.msk [tilespmem:v0+s18+$0x0], $0xffff  }
0x57: {  	v3 =	vld.idx.msk [tilespmem:v3+s19+$0x0], $0xffff  }
0x58: {  	v0 =	vld.idx.msk [tilespmem:v0+s19+$0x0], $0xffff;
	_ =	sdelay $0x2  }
0x59: {  	v1 =	vsub.f32 v1, v2;
	v2 =	vsub.f32 v4, v5  }
0x5a: {  	v4 =	vld [tilespmem:s23+$0x40]  }
0x5b: {  	v0 =	vsub.f32 v3, v0;
	v1 =	vmul.f32 v1, v1;
	v2 =	vmul.f32 v2, v2;
	_ =	sdelay $0x1  }
0x5c: {  	v0 =	vmul.f32 v0, v0;
	v1 =	vadd.f32 v2, v1;
	_ =	sdelay $0x1  }
0x5d: {  	v0 =	vadd.f32 v0, v1;
	_ =	sdelay $0x1  }
0x5e: {  	v1 =	vld [tilespmem:s23+$0x1840];
	[tilespmem:s23+$0x4830] =	vst v0  }
0x5f: {  	v0 =	vld.idx.msk [tilespmem:v4+s16+$0x0], $0xffff;
	_ =	sdelay $0x4  }
0x60: {  	[tilespmem:s23+$0x3040] =	vst v0  }
0x61: {  	v0 =	vld.idx.msk [tilespmem:v4+s17+$0x0], $0xffff  }
0x62: {  	v2 =	vld.idx.msk [tilespmem:v4+s18+$0x0], $0xffff  }
0x63: {  	v3 =	vld.idx.msk [tilespmem:v1+s17+$0x0], $0xffff  }
0x64: {  	v5 =	vld.idx.msk [tilespmem:v1+s18+$0x0], $0xffff  }
0x65: {  	v4 =	vld.idx.msk [tilespmem:v4+s19+$0x0], $0xffff  }
0x66: {  	v1 =	vld.idx.msk [tilespmem:v1+s19+$0x0], $0xffff;
	_ =	sdelay $0x2  }
0x67: {  	v0 =	vsub.f32 v0, v3;
	v2 =	vsub.f32 v2, v5  }
0x68: {  	v3 =	vld [tilespmem:s23+$0x50]  }
0x69: {  	v1 =	vsub.f32 v4, v1;
	v0 =	vmul.f32 v0, v0;
	v2 =	vmul.f32 v2, v2;
	_ =	sdelay $0x1  }
0x6a: {  	v1 =	vmul.f32 v1, v1;
	v0 =	vadd.f32 v2, v0;
	_ =	sdelay $0x1  }
0x6b: {  	v0 =	vadd.f32 v1, v0;
	_ =	sdelay $0x1  }
0x6c: {  	[tilespmem:s23+$0x4840] =	vst v0  }
0x6d: {  	v1 =	vld.idx.msk [tilespmem:v3+s16+$0x0], $0xffff  }
0x6e: {  	v0 =	vld [tilespmem:s23+$0x1850];
	_ =	sdelay $0x3  }
0x6f: {  	[tilespmem:s23+$0x3050] =	vst v1  }
0x70: {  	v2 =	vld.idx.msk [tilespmem:v3+s17+$0x0], $0xffff  }
0x71: {  	v4 =	vld.idx.msk [tilespmem:v3+s18+$0x0], $0xffff  }
0x72: {  	v3 =	vld.idx.msk [tilespmem:v3+s19+$0x0], $0xffff  }
0x73: {  	v1 =	vld.idx.msk [tilespmem:v0+s17+$0x0], $0xffff  }
0x74: {  	v5 =	vld.idx.msk [tilespmem:v0+s18+$0x0], $0xffff  }
0x75: {  	v0 =	vld.idx.msk [tilespmem:v0+s19+$0x0], $0xffff;
	_ =	sdelay $0x3  }
0x76: {  	v1 =	vsub.f32 v2, v1;
	v2 =	vsub.f32 v4, v5  }
0x77: {  	v0 =	vsub.f32 v3, v0;
	v3 =	vld [tilespmem:s23+$0x60]  }
0x78: {  	v1 =	vmul.f32 v1, v1;
	v2 =	vmul.f32 v2, v2;
	_ =	sdelay $0x1  }
0x79: {  	v0 =	vmul.f32 v0, v0;
	v1 =	vadd.f32 v2, v1;
	_ =	sdelay $0x1  }
0x7a: {  	v0 =	vadd.f32 v0, v1;
	_ =	sdelay $0x1  }
0x7b: {  	[tilespmem:s23+$0x4850] =	vst v0;
	v0 =	vld [tilespmem:s23+$0x1860]  }
0x7c: {  	v1 =	vld.idx.msk [tilespmem:v3+s16+$0x0], $0xffff;
	_ =	sdelay $0x4  }
0x7d: {  	[tilespmem:s23+$0x3060] =	vst v1  }
0x7e: {  	v2 =	vld.idx.msk [tilespmem:v3+s18+$0x0], $0xffff  }
0x7f: {  	v5 =	vld.idx.msk [tilespmem:v3+s17+$0x0], $0xffff  }
0x80: {  	v1 =	vld.idx.msk [tilespmem:v0+s17+$0x0], $0xffff  }
0x81: {  	v4 =	vld.idx.msk [tilespmem:v0+s18+$0x0], $0xffff  }
0x82: {  	v3 =	vld.idx.msk [tilespmem:v3+s19+$0x0], $0xffff  }
0x83: {  	v6 =	vld.idx.msk [tilespmem:v0+s19+$0x0], $0xffff;
	_ =	sdelay $0x2  }
0x84: {  	v4 =	vsub.f32 v2, v4;
	v2 =	vsub.f32 v5, v1  }
0x85: {  	v0 =	vld [tilespmem:s23+$0x70]  }
0x86: {  	s24 =	simm.s32 $0x200;
	v1 =	vsub.f32 v3, v6;
	v2 =	vmul.f32 v2, v2;
	v3 =	vmul.f32 v4, v4  }
.LBB2_2:
0x87: {  	p0 =	sne.s32 s24, $0x5E00;
	s25 =	smov.u32 s24;
	s24 =	sadd.s32 $0x200, s24  }
0x88: {  	v2 =	vadd.f32 v3, v2;
	v1 =	vmul.f32 v1, v1;
	_ =	sdelay $0x1  }
0x89: {  	v1 =	vadd.f32 v1, v2;
	_ =	sdelay $0x1  }
0x8a: {  	[tilespmem:s23+$0x4860] =	vst v1;
	v1 =	vld [tilespmem:s23+$0x1870]  }
0x8b: {  	v2 =	vld.idx.msk [tilespmem:v0+s16+$0x0], $0xffff;
	_ =	sdelay $0x5  }
0x8c: {  	[tilespmem:s23+$0x3070] =	vst v2  }
0x8d: {  	v2 =	vld.idx.msk [tilespmem:v0+s19+$0x0], $0xffff  }
0x8e: {  	v3 =	vld.idx.msk [tilespmem:v1+s19+$0x0], $0xffff  }
0x8f: {  	v4 =	vld.idx.msk [tilespmem:v0+s17+$0x0], $0xffff  }
0x90: {  	v5 =	vld.idx.msk [tilespmem:v1+s18+$0x0], $0xffff  }
0x91: {  	v1 =	vld.idx.msk [tilespmem:v1+s17+$0x0], $0xffff  }
0x92: {  	v0 =	vld.idx.msk [tilespmem:v0+s18+$0x0], $0xffff;
	_ =	sdelay $0x4  }
0x93: {  	v2 =	vsub.f32 v2, v3;
	v1 =	vsub.f32 v4, v1  }
0x94: {  	s25 =	sshra.s32 s25, $0x2;
	v0 =	vsub.f32 v0, v5  }
0x95: {  	v2 =	vmul.f32 v2, v2;
	v1 =	vmul.f32 v1, v1;
	v3 =	vld [tilespmem:s25+$0x0]  }
0x96: {  	v0 =	vmul.f32 v0, v0;
	_ =	sdelay $0x1  }
0x97: {  	v0 =	vadd.f32 v0, v1;
	_ =	sdelay $0x1  }
0x98: {  	v0 =	vadd.f32 v2, v0;
	_ =	sdelay $0x1  }
0x99: {  	v1 =	vld [tilespmem:s25+$0x1800];
	[tilespmem:s23+$0x4870] =	vst v0;
	s23 =	smov.u32 s25  }
0x9a: {  	v0 =	vld.idx.msk [tilespmem:v3+s16+$0x0], $0xffff;
	_ =	sdelay $0x5  }
0x9b: {  	[tilespmem:s23+$0x3000] =	vst v0  }
0x9c: {  	v0 =	vld.idx.msk [tilespmem:v1+s18+$0x0], $0xffff  }
0x9d: {  	v2 =	vld.idx.msk [tilespmem:v3+s17+$0x0], $0xffff  }
0x9e: {  	v4 =	vld.idx.msk [tilespmem:v1+s17+$0x0], $0xffff  }
0x9f: {  	v5 =	vld.idx.msk [tilespmem:v3+s18+$0x0], $0xffff  }
0xa0: {  	v1 =	vld.idx.msk [tilespmem:v1+s19+$0x0], $0xffff  }
0xa1: {  	v3 =	vld.idx.msk [tilespmem:v3+s19+$0x0], $0xffff;
	_ =	sdelay $0x2  }
0xa2: {  	v2 =	vsub.f32 v2, v4  }
0xa3: {  	v0 =	vsub.f32 v5, v0  }
0xa4: {  	v2 =	vmul.f32 v2, v2;
	v4 =	vld [tilespmem:s23+$0x10]  }
0xa5: {  	v1 =	vsub.f32 v3, v1;
	v0 =	vmul.f32 v0, v0;
	_ =	sdelay $0x1  }
0xa6: {  	v0 =	vadd.f32 v0, v2;
	v1 =	vmul.f32 v1, v1;
	_ =	sdelay $0x1  }
0xa7: {  	v0 =	vadd.f32 v1, v0;
	_ =	sdelay $0x1  }
0xa8: {  	[tilespmem:s23+$0x4800] =	vst v0;
	v0 =	vld [tilespmem:s23+$0x1810]  }
0xa9: {  	v1 =	vld.idx.msk [tilespmem:v4+s16+$0x0], $0xffff;
	_ =	sdelay $0x5  }
0xaa: {  	[tilespmem:s23+$0x3010] =	vst v1  }
0xab: {  	v1 =	vld.idx.msk [tilespmem:v4+s19+$0x0], $0xffff  }
0xac: {  	v2 =	vld.idx.msk [tilespmem:v0+s19+$0x0], $0xffff  }
0xad: {  	v3 =	vld.idx.msk [tilespmem:v0+s17+$0x0], $0xffff  }
0xae: {  	v5 =	vld.idx.msk [tilespmem:v4+s18+$0x0], $0xffff  }
0xaf: {  	v4 =	vld.idx.msk [tilespmem:v4+s17+$0x0], $0xffff  }
0xb0: {  	v0 =	vld.idx.msk [tilespmem:v0+s18+$0x0], $0xffff;
	_ =	sdelay $0x4  }
0xb1: {  	v1 =	vsub.f32 v1, v2;
	v3 =	vsub.f32 v4, v3  }
0xb2: {  	v0 =	vsub.f32 v5, v0  }
0xb3: {  	v2 =	vmul.f32 v3, v3;
	v3 =	vld [tilespmem:s23+$0x20]  }
0xb4: {  	v1 =	vmul.f32 v1, v1;
	v0 =	vmul.f32 v0, v0;
	_ =	sdelay $0x1  }
0xb5: {  	v0 =	vadd.f32 v0, v2;
	_ =	sdelay $0x1  }
0xb6: {  	v0 =	vadd.f32 v1, v0;
	_ =	sdelay $0x1  }
0xb7: {  	[tilespmem:s23+$0x4810] =	vst v0  }
0xb8: {  	v0 =	vld.idx.msk [tilespmem:v3+s16+$0x0], $0xffff  }
0xb9: {  	v1 =	vld [tilespmem:s23+$0x1820];
	_ =	sdelay $0x4  }
0xba: {  	[tilespmem:s23+$0x3020] =	vst v0  }
0xbb: {  	v0 =	vld.idx.msk [tilespmem:v3+s19+$0x0], $0xffff  }
0xbc: {  	v2 =	vld.idx.msk [tilespmem:v3+s18+$0x0], $0xffff  }
0xbd: {  	v4 =	vld.idx.msk [tilespmem:v1+s19+$0x0], $0xffff  }
0xbe: {  	v3 =	vld.idx.msk [tilespmem:v3+s17+$0x0], $0xffff  }
0xbf: {  	v5 =	vld.idx.msk [tilespmem:v1+s18+$0x0], $0xffff  }
0xc0: {  	v1 =	vld.idx.msk [tilespmem:v1+s17+$0x0], $0xffff;
	_ =	sdelay $0x4  }
0xc1: {  	v0 =	vsub.f32 v0, v4;
	v2 =	vsub.f32 v2, v5  }
0xc2: {  	v1 =	vsub.f32 v3, v1  }
0xc3: {  	v2 =	vmul.f32 v2, v2;
	v3 =	vld [tilespmem:s23+$0x30]  }
0xc4: {  	v0 =	vmul.f32 v0, v0;
	v1 =	vmul.f32 v1, v1;
	_ =	sdelay $0x1  }
0xc5: {  	v1 =	vadd.f32 v2, v1;
	_ =	sdelay $0x1  }
0xc6: {  	v0 =	vadd.f32 v0, v1;
	_ =	sdelay $0x1  }
0xc7: {  	[tilespmem:s23+$0x4820] =	vst v0;
	v0 =	vld [tilespmem:s23+$0x1830]  }
0xc8: {  	v1 =	vld.idx.msk [tilespmem:v3+s16+$0x0], $0xffff;
	_ =	sdelay $0x5  }
0xc9: {  	[tilespmem:s23+$0x3030] =	vst v1  }
0xca: {  	v1 =	vld.idx.msk [tilespmem:v0+s19+$0x0], $0xffff  }
0xcb: {  	v2 =	vld.idx.msk [tilespmem:v3+s17+$0x0], $0xffff  }
0xcc: {  	v4 =	vld.idx.msk [tilespmem:v0+s17+$0x0], $0xffff  }
0xcd: {  	v5 =	vld.idx.msk [tilespmem:v3+s19+$0x0], $0xffff  }
0xce: {  	v3 =	vld.idx.msk [tilespmem:v3+s18+$0x0], $0xffff  }
0xcf: {  	v0 =	vld.idx.msk [tilespmem:v0+s18+$0x0], $0xffff;
	_ =	sdelay $0x2  }
0xd0: {  	v2 =	vsub.f32 v2, v4;
	_ =	sdelay $0x1  }
0xd1: {  	v1 =	vsub.f32 v5, v1;
	v2 =	vmul.f32 v2, v2  }
0xd2: {  	v0 =	vsub.f32 v3, v0  }
0xd3: {  	v3 =	vld [tilespmem:s23+$0x40]  }
0xd4: {  	v1 =	vmul.f32 v1, v1;
	v0 =	vmul.f32 v0, v0;
	_ =	sdelay $0x1  }
0xd5: {  	v0 =	vadd.f32 v0, v2;
	_ =	sdelay $0x1  }
0xd6: {  	v0 =	vadd.f32 v1, v0;
	_ =	sdelay $0x1  }
0xd7: {  	[tilespmem:s23+$0x4830] =	vst v0  }
0xd8: {  	v0 =	vld.idx.msk [tilespmem:v3+s16+$0x0], $0xffff  }
0xd9: {  	v1 =	vld [tilespmem:s23+$0x1840];
	_ =	sdelay $0x4  }
0xda: {  	[tilespmem:s23+$0x3040] =	vst v0  }
0xdb: {  	v0 =	vld.idx.msk [tilespmem:v3+s17+$0x0], $0xffff  }
0xdc: {  	v2 =	vld.idx.msk [tilespmem:v3+s18+$0x0], $0xffff  }
0xdd: {  	v4 =	vld.idx.msk [tilespmem:v1+s17+$0x0], $0xffff  }
0xde: {  	v5 =	vld.idx.msk [tilespmem:v1+s18+$0x0], $0xffff  }
0xdf: {  	v3 =	vld.idx.msk [tilespmem:v3+s19+$0x0], $0xffff  }
0xe0: {  	v1 =	vld.idx.msk [tilespmem:v1+s19+$0x0], $0xffff;
	_ =	sdelay $0x2  }
0xe1: {  	v0 =	vsub.f32 v0, v4  }
0xe2: {  	v2 =	vsub.f32 v2, v5  }
0xe3: {  	v0 =	vmul.f32 v0, v0;
	v4 =	vld [tilespmem:s23+$0x50]  }
0xe4: {  	v1 =	vsub.f32 v3, v1;
	v2 =	vmul.f32 v2, v2;
	_ =	sdelay $0x1  }
0xe5: {  	v0 =	vadd.f32 v2, v0;
	v1 =	vmul.f32 v1, v1;
	_ =	sdelay $0x1  }
0xe6: {  	v0 =	vadd.f32 v1, v0;
	_ =	sdelay $0x1  }
0xe7: {  	[tilespmem:s23+$0x4840] =	vst v0;
	v0 =	vld [tilespmem:s23+$0x1850]  }
0xe8: {  	v1 =	vld.idx.msk [tilespmem:v4+s16+$0x0], $0xffff;
	_ =	sdelay $0x5  }
0xe9: {  	[tilespmem:s23+$0x3050] =	vst v1  }
0xea: {  	v1 =	vld.idx.msk [tilespmem:v0+s17+$0x0], $0xffff  }
0xeb: {  	v2 =	vld.idx.msk [tilespmem:v4+s17+$0x0], $0xffff  }
0xec: {  	v3 =	vld.idx.msk [tilespmem:v4+s18+$0x0], $0xffff  }
0xed: {  	v5 =	vld.idx.msk [tilespmem:v0+s18+$0x0], $0xffff  }
0xee: {  	v4 =	vld.idx.msk [tilespmem:v4+s19+$0x0], $0xffff  }
0xef: {  	v0 =	vld.idx.msk [tilespmem:v0+s19+$0x0], $0xffff;
	_ =	sdelay $0x2  }
0xf0: {  	v1 =	vsub.f32 v2, v1  }
0xf1: {  	v2 =	vsub.f32 v3, v5  }
0xf2: {  	v1 =	vmul.f32 v1, v1;
	v3 =	vld [tilespmem:s23+$0x60]  }
0xf3: {  	v0 =	vsub.f32 v4, v0;
	v2 =	vmul.f32 v2, v2;
	_ =	sdelay $0x1  }
0xf4: {  	v1 =	vadd.f32 v2, v1;
	v0 =	vmul.f32 v0, v0;
	_ =	sdelay $0x1  }
0xf5: {  	v0 =	vadd.f32 v0, v1;
	_ =	sdelay $0x1  }
0xf6: {  	[tilespmem:s23+$0x4850] =	vst v0;
	v0 =	vld [tilespmem:s23+$0x1860]  }
0xf7: {  	v1 =	vld.idx.msk [tilespmem:v3+s16+$0x0], $0xffff;
	_ =	sdelay $0x5  }
0xf8: {  	[tilespmem:s23+$0x3060] =	vst v1  }
0xf9: {  	v1 =	vld.idx.msk [tilespmem:v0+s17+$0x0], $0xffff  }
0xfa: {  	v2 =	vld.idx.msk [tilespmem:v3+s18+$0x0], $0xffff  }
0xfb: {  	v4 =	vld.idx.msk [tilespmem:v0+s18+$0x0], $0xffff  }
0xfc: {  	v5 =	vld.idx.msk [tilespmem:v3+s17+$0x0], $0xffff  }
0xfd: {  	v3 =	vld.idx.msk [tilespmem:v3+s19+$0x0], $0xffff  }
0xfe: {  	v6 =	vld.idx.msk [tilespmem:v0+s19+$0x0], $0xffff;
	_ =	sdelay $0x1  }
.Ltmp0:
0xff: {  	(pc) =	sbr.rel @p0 .LBB2_2-.Ltmp0, $4  }
0x100: {  	v4 =	vsub.f32 v2, v4  }
0x101: {  	v2 =	vsub.f32 v5, v1  }
0x102: {  	v0 =	vld [tilespmem:s23+$0x70]  }
0x103: {  	v1 =	vsub.f32 v3, v6;
	v2 =	vmul.f32 v2, v2;
	v3 =	vmul.f32 v4, v4  }
0x104: {  	_ =	sdelay $0x1  }
0x105: {  	v2 =	vadd.f32 v3, v2;
	v1 =	vmul.f32 v1, v1;
	_ =	sdelay $0x1  }
0x106: {  	v1 =	vadd.f32 v1, v2;
	_ =	sdelay $0x1  }
0x107: {  	v58 =	vld [tilespmem:s23+$0x1870];
	[tilespmem:s23+$0x4860] =	vst v1  }
0x108: {  	v59 =	vld.idx.msk [tilespmem:v0+s16+$0x0], $0xffff;
	_ =	sdelay $0x4  }
0x109: {  	[tilespmem:s23+$0x3070] =	vst v59  }
0x10a: {  	v2 =	vld.idx.msk [tilespmem:v0+s17+$0x0], $0xffff  }
0x10b: {  	v60 =	vld.idx.msk [tilespmem:v58+s18+$0x0], $0xffff  }
0x10c: {  	v4 =	vld.idx.msk [tilespmem:v58+s17+$0x0], $0xffff  }
0x10d: {  	v5 =	vld.idx.msk [tilespmem:v0+s18+$0x0], $0xffff  }
0x10e: {  	v61 =	vld.idx.msk [tilespmem:v0+s19+$0x0], $0xffff  }
0x10f: {  	v1 =	vld.idx.msk [tilespmem:v58+s19+$0x0], $0xffff;
	_ =	sdelay $0x2  }
0x110: {  	v2 =	vsub.f32 v2, v4;
	v3 =	vsub.f32 v5, v60;
	_ =	sdelay $0x1  }
0x111: {  	v0 =	vsub.f32 v61, v1;
	v62 =	vmul.f32 v2, v2;
	v63 =	vmul.f32 v3, v3;
	_ =	sdelay $0x1  }
0x112: {  	v0 =	vmul.f32 v0, v0;
	v1 =	vadd.f32 v63, v62;
	_ =	sdelay $0x1  }
0x113: {  	v0 =	vadd.f32 v0, v1;
	_ =	sdelay $0x1  }
0x114: {  	[tilespmem:s23+$0x4870] =	vst v0  }
0x115: {  	[hbm4b:s9+s2] =	stream.linear.scatter [tilespmem:s20], [sflag:$0x1], $0x1800, $0x38;
	[tilespmem:$0x7000] =	vst v63  }
0x116: {  	s22 =	sadd.s32 $0x1, s22;
	_ =	swait.ge [sflag:s12], $0x1800  }
0x117: {  	p0 =	sne.s32 s22, s11;
	[sflag:s12] =	ssyncset.done $0x0  }
.Ltmp1:
0x118: {  	[sflag:s12] =	ssyncadd.s32 $0xFFFFE800;
	(pc) =	sbr.rel @p0 .LBB2_1-.Ltmp1, $4  }
0x119: {  	[hbm4b:s10+s2] =	stream.linear.scatter [tilespmem:s21], [sflag:$0x1], $0x1800, $0x38;
	[tilespmem:$0x7000] =	vst v63  }
0x11a: {  	_ =	swait.ge [sflag:s12], $0x1800  }
0x11b: {  	[sflag:s12] =	ssyncset.done $0x0  }
0x11c: {  	[sflag:s12] =	ssyncadd.s32 $0xFFFFE800  }
0x11d: {  	_ =	sfence.sel $0x180000  }
0x11e: {  	[bflag:$0x0] =	sbarrier.arrive $0xFFFF  }
0x11f: {  	p0 =	sne.s32 s0, $0x0;
	_ =	strace $0x90000047  }
0x120: {  	s0 =	sadd.s32 @!p0 $0x100000, s1;
	[bflag:$0x2] =	sbarrier.arrive $0xFFFF  }
0x121: {  	[sflag:s0] =	ssyncadd.tile.s32 @!p0 $0x1;
	_ =	shalt  }
.Lfunc_end2:
_tile_overlayer_lowered:
.L_overlay_start_2:
0x122: {  	(tag) =	ssettag $0x2  }
0x123: {  	s0 =	rddreg [dreg:$0x0];
	s2 =	stileid.u32  }
0x124: {  	s1 =	rddreg [dreg:$0x1];
	p0 =	sne.s32 s2, $0x0  }
0x125: {  	s3 =	rddreg [dreg:$0x2];
	[bflag:$0x3] =	sbarrier.arrive $0xFFFF;
	s2 =	simm.s32 @!p0 $0x1C01  }
0x126: {  	[timem:s3], [sflag:s2] =	dma.local @!p0 [hbm:s0], s1  }
0x127: {  	s0 =	simm.s32 @!p0 $0x1  }
0x128: {  	_ =	swait.ge @!p0 [sflag:s0], s1  }
0x129: {  	s1 =	ssub.s32 @!p0 $0x0, s1;
	[sflag:s0] =	ssyncset.done @!p0 $0x0  }
0x12a: {  	[sflag:s0] =	ssyncadd.s32 @!p0 s1  }
0x12b: {  	[bflag:$0x3] =	sbarrier.arrive $0xFFFF  }
0x12c: {  	_ =	shalt  }

</sc_bundles>
